<compile_context>
chip_gen: v7x
topology: tpu7x:2x2x1
jax: 0.10.2.dev20260603
libtpu: 0.0.44.dev20260713+nightly
codegen_flags: <defaults>
</compile_context>

<pallas_src>
import functools

import jax
import jax.numpy as jnp
from jax import lax
from jax.experimental import pallas as pl
from jax.experimental.pallas import tpu as pltpu
from jax.experimental.pallas import tpu_sc as plsc

K = 1024
NS, L = 16, 16


def _eyt_slot(i):
    ip1 = i + 1
    lowbit = ip1 & (-ip1)
    e = (lax.bitcast_convert_type(lowbit.astype(jnp.float32), jnp.int32) >> 23) - 127
    return (1025 + i) >> (e + 1)


def _table_tc_kernel(ecol_ref, tree_ref):
    ecol = ecol_ref[...]
    erow = jnp.transpose(ecol)
    ij = lax.broadcasted_iota(jnp.int32, (K, K), 0)
    ik = lax.broadcasted_iota(jnp.int32, (K, K), 1)
    before = (erow < ecol) | ((erow == ecol) & (ik < ij))
    rank = jnp.sum(before.astype(jnp.int32), axis=1, keepdims=True)
    ii = lax.broadcasted_iota(jnp.int32, (K, K), 1)
    onehot = (rank == ii).astype(jnp.float32)
    svals = jnp.sum(onehot * ecol, axis=0, keepdims=True)
    u1 = _eyt_slot(rank)
    u2 = _eyt_slot(jnp.maximum(rank - 1, 0))
    w1 = ((u1 == ii) & (rank <= K - 2)).astype(jnp.float32)
    w2 = ((u2 == ii) & (rank >= 1)).astype(jnp.float32)
    tree_lo = jnp.sum((0.5 * ecol) * (w1 + w2), axis=0, keepdims=True)
    tree_ref[0:1, :] = tree_lo
    tree_ref[1:2, :] = svals


def _build_table(emb_col):
    tree = pl.pallas_call(
        _table_tc_kernel,
        out_shape=jax.ShapeDtypeStruct((2, K), jnp.float32),
    )(emb_col)
    return tree.reshape(2 * K)


def _make_search(n, num_cores):
    nw = num_cores * NS
    chunk = n // nw
    vregs = chunk // L
    mesh = plsc.VectorSubcoreMesh(
        core_axis_name="c", subcore_axis_name="s", num_cores=num_cores
    )

    @functools.partial(
        pl.kernel,
        mesh=mesh,
        compiler_params=pltpu.CompilerParams(needs_layout_passes=False),
        out_type=jax.ShapeDtypeStruct((n,), jnp.float32),
        scratch_types=[
            pltpu.VMEM((chunk,), jnp.float32),
            pltpu.VMEM((chunk,), jnp.float32),
            pltpu.VMEM((2 * K,), jnp.float32),
            pltpu.SemaphoreType.DMA,
            pltpu.SemaphoreType.DMA,
        ],
    )
    def search(x_hbm, t_hbm, out_hbm, x_v, o_v, t_v, sem0, sem1):
        wid = lax.axis_index("s") * num_cores + lax.axis_index("c")
        base = wid * chunk
        c0 = pltpu.async_copy(t_hbm, t_v, sem0)
        c1 = pltpu.async_copy(x_hbm.at[pl.ds(base, chunk)], x_v, sem1)
        c0.wait()
        c1.wait()

        @plsc.parallel_loop(0, vregs, 1, unroll=8)
        def body(i):
            z = x_v[pl.ds(i * L, L)]
            t = jnp.ones((L,), jnp.int32)
            for _ in range(10):
                mv = plsc.load_gather(t_v, [t])
                t = (t + t) + (mv <= z).astype(jnp.int32)
            o_v[pl.ds(i * L, L)] = plsc.load_gather(t_v, [t])

        pltpu.sync_copy(o_v, out_hbm.at[pl.ds(base, chunk)])

    return search


def kernel(inputs, emb_w):
    shape = inputs.shape
    n = inputs.size
    tree = _build_table(emb_w.reshape(K, 1))
    out = _make_search(n, 2)(inputs.reshape(n), tree)
    return out.reshape(shape)

# --- scband reference (transcript-rebuilt; emitter-appended) ---
"""Pipeline reference for scband-quantizer-189 (READ-ONLY COPY).

The authoritative reference and input builder live on the scoring server;
editing this copy changes nothing except your own understanding.
"""

import jax, jax.numpy as jnp
import numpy as np


def setup_inputs(seed: int = 0) -> dict:
    key = jax.random.key(seed)
    k_in, k_emb = jax.random.split(key)
    inputs = jax.random.normal(k_in, (4, 96, 16, 16), dtype=jnp.float32)
    # nn.Embedding(codebook=1024, embedding_dim=1) weight, default N(0,1) init
    emb_w = jax.random.normal(k_emb, (1024, 1), dtype=jnp.float32)
    return {"inputs": inputs, "emb_w": emb_w}


def reference(inputs, emb_w):
    # permute BCHW -> BHWC
    x = jnp.transpose(inputs, (0, 2, 3, 1))
    input_shape = x.shape
    embedding_dim = emb_w.shape[1]  # 1
    num_embeddings = emb_w.shape[0]
    flat_input = x.reshape(-1, embedding_dim)
    # distances: ||z||^2 + ||e||^2 - 2 z e^T  -> [N, K]
    distances = (
        jnp.sum(flat_input ** 2, axis=1, keepdims=True)
        + jnp.sum(emb_w ** 2, axis=1)
        - 2.0 * jnp.matmul(flat_input, emb_w.T)
    )
    encoding_indices = jnp.argmin(distances, axis=1)
    # scatter one-hot encodings [N, K]
    encodings = jax.nn.one_hot(encoding_indices, num_embeddings, dtype=jnp.float32)
    quantized = jnp.matmul(encodings, emb_w).reshape(input_shape)
    # permute BHWC -> BCHW
    return jnp.transpose(quantized, (0, 3, 1, 2))

if __name__ == "__main__":
    import jax
    _d = setup_inputs()
    print(jax.jit(kernel)(*tuple(_d.values())))

</pallas_src>

<mosaic_0001>
#map = affine_map<(d0, d1) -> (0)>
module attributes {stable_mosaic.version = 14 : i64} {
  func.func @search(%arg0: i32, %arg1: i32, %arg2: memref<98304xf32, #tpu.memory_space<hbm>>, %arg3: memref<2048xf32, #tpu.memory_space<hbm>>, %arg4: memref<98304xf32, #tpu.memory_space<hbm>>, %arg5: memref<3072xf32, #tpu.memory_space<vmem>>, %arg6: memref<3072xf32, #tpu.memory_space<vmem>>, %arg7: memref<2048xf32, #tpu.memory_space<vmem>>, %arg8: memref<!tpu.dma_semaphore, #tpu.memory_space<semaphore_mem>>, %arg9: memref<!tpu.dma_semaphore, #tpu.memory_space<semaphore_mem>>) attributes {dimension_semantics = [#tpu.dimension_semantics<core_parallel>, #tpu.dimension_semantics<subcore_parallel>], iteration_bounds = array<i64: 2, 16>, scalar_prefetch = 0 : i64, scratch_operands = 5 : i64, tpu.core_type = #tpu.core_type<sc_vector_subcore>, window_params = [{transform_indices = #map}, {transform_indices = #map}, {transform_indices = #map}]} {
    %mul3A = arith.constant 2 : i32
    %mul3A_0 = arith.muli %arg1, %mul3A : i32
    %add3A = arith.addi %mul3A_0, %arg0 : i32
    %mul3A_1 = arith.constant 3072 : i32
    %mul3A_2 = arith.muli %add3A, %mul3A_1 : i32
    tpu.enqueue_dma source(%arg3 : memref<2048xf32, #tpu.memory_space<hbm>>) target(%arg7 : memref<2048xf32, #tpu.memory_space<vmem>>) target_semaphore(%arg8 : memref<!tpu.dma_semaphore, #tpu.memory_space<semaphore_mem>>)
    %dma_start3A = tpu.memref_slice %arg2[%mul3A_2] : memref<98304xf32, #tpu.memory_space<hbm>> -> memref<3072xf32, #tpu.memory_space<hbm>>
    %dma_start3A_3 = tpu.memref_slice %arg2[%mul3A_2] : memref<98304xf32, #tpu.memory_space<hbm>> -> memref<3072xf32, #tpu.memory_space<hbm>>
    tpu.enqueue_dma source(%dma_start3A_3 : memref<3072xf32, #tpu.memory_space<hbm>>) target(%arg5 : memref<3072xf32, #tpu.memory_space<vmem>>) target_semaphore(%arg9 : memref<!tpu.dma_semaphore, #tpu.memory_space<semaphore_mem>>)
    tpu.wait_dma2 semaphore(%arg8 : memref<!tpu.dma_semaphore, #tpu.memory_space<semaphore_mem>>) src(%arg3 : memref<2048xf32, #tpu.memory_space<hbm>>) dst(%arg7 : memref<2048xf32, #tpu.memory_space<vmem>>)
    %dma_wait3A = tpu.memref_slice %arg2[%mul3A_2] : memref<98304xf32, #tpu.memory_space<hbm>> -> memref<3072xf32, #tpu.memory_space<hbm>>
    %dma_wait3A_4 = tpu.memref_slice %arg2[%mul3A_2] : memref<98304xf32, #tpu.memory_space<hbm>> -> memref<3072xf32, #tpu.memory_space<hbm>>
    tpu.wait_dma2 semaphore(%arg9 : memref<!tpu.dma_semaphore, #tpu.memory_space<semaphore_mem>>) src(%dma_wait3A_4 : memref<3072xf32, #tpu.memory_space<hbm>>) dst(%arg5 : memref<3072xf32, #tpu.memory_space<vmem>>)
    %parallel_loop3A = arith.constant 0 : i32
    %parallel_loop3A_5 = arith.constant 192 : i32
    %parallel_loop3A_6 = arith.constant 1 : i32
    scf.for %parallel_loop3A_7 = %parallel_loop3A to %parallel_loop3A_5 step %parallel_loop3A_6  : i32 {
      %parallel_loop3A_8 = arith.constant 16 : i32
      %parallel_loop3A_9 = arith.muli %parallel_loop3A_7, %parallel_loop3A_8 : i32
      %parallel_loop3A_10 = arith.index_cast %parallel_loop3A_9 : i32 to index
      %parallel_loop3A_11 = tpu.vector_load %arg5[%parallel_loop3A_10] {strides = array<i32>} : memref<3072xf32, #tpu.memory_space<vmem>>, vector<16xf32>,
      %parallel_loop3A_12 = arith.constant 1 : i32
      %parallel_loop3A_13 = vector.broadcast %parallel_loop3A_12 : i32 to vector<16xi32>
      %parallel_loop3A_14 = tpu.vector_load_idx %arg7[%parallel_loop3A_13] : memref<2048xf32, #tpu.memory_space<vmem>>[vector<16xi32>], vector<16xf32>,
      %parallel_loop3A_15 = arith.addi %parallel_loop3A_13, %parallel_loop3A_13 : vector<16xi32>
      %parallel_loop3A_16 = arith.cmpf ole, %parallel_loop3A_14, %parallel_loop3A_11 : vector<16xf32>
      %parallel_loop3A_17 = arith.extui %parallel_loop3A_16 : vector<16xi1> to vector<16xi32>
      %parallel_loop3A_18 = arith.addi %parallel_loop3A_15, %parallel_loop3A_17 : vector<16xi32>
      %parallel_loop3A_19 = tpu.vector_load_idx %arg7[%parallel_loop3A_18] : memref<2048xf32, #tpu.memory_space<vmem>>[vector<16xi32>], vector<16xf32>,
      %parallel_loop3A_20 = arith.addi %parallel_loop3A_18, %parallel_loop3A_18 : vector<16xi32>
      %parallel_loop3A_21 = arith.cmpf ole, %parallel_loop3A_19, %parallel_loop3A_11 : vector<16xf32>
      %parallel_loop3A_22 = arith.extui %parallel_loop3A_21 : vector<16xi1> to vector<16xi32>
      %parallel_loop3A_23 = arith.addi %parallel_loop3A_20, %parallel_loop3A_22 : vector<16xi32>
      %parallel_loop3A_24 = tpu.vector_load_idx %arg7[%parallel_loop3A_23] : memref<2048xf32, #tpu.memory_space<vmem>>[vector<16xi32>], vector<16xf32>,
      %parallel_loop3A_25 = arith.addi %parallel_loop3A_23, %parallel_loop3A_23 : vector<16xi32>
      %parallel_loop3A_26 = arith.cmpf ole, %parallel_loop3A_24, %parallel_loop3A_11 : vector<16xf32>
      %parallel_loop3A_27 = arith.extui %parallel_loop3A_26 : vector<16xi1> to vector<16xi32>
      %parallel_loop3A_28 = arith.addi %parallel_loop3A_25, %parallel_loop3A_27 : vector<16xi32>
      %parallel_loop3A_29 = tpu.vector_load_idx %arg7[%parallel_loop3A_28] : memref<2048xf32, #tpu.memory_space<vmem>>[vector<16xi32>], vector<16xf32>,
      %parallel_loop3A_30 = arith.addi %parallel_loop3A_28, %parallel_loop3A_28 : vector<16xi32>
      %parallel_loop3A_31 = arith.cmpf ole, %parallel_loop3A_29, %parallel_loop3A_11 : vector<16xf32>
      %parallel_loop3A_32 = arith.extui %parallel_loop3A_31 : vector<16xi1> to vector<16xi32>
      %parallel_loop3A_33 = arith.addi %parallel_loop3A_30, %parallel_loop3A_32 : vector<16xi32>
      %parallel_loop3A_34 = tpu.vector_load_idx %arg7[%parallel_loop3A_33] : memref<2048xf32, #tpu.memory_space<vmem>>[vector<16xi32>], vector<16xf32>,
      %parallel_loop3A_35 = arith.addi %parallel_loop3A_33, %parallel_loop3A_33 : vector<16xi32>
      %parallel_loop3A_36 = arith.cmpf ole, %parallel_loop3A_34, %parallel_loop3A_11 : vector<16xf32>
      %parallel_loop3A_37 = arith.extui %parallel_loop3A_36 : vector<16xi1> to vector<16xi32>
      %parallel_loop3A_38 = arith.addi %parallel_loop3A_35, %parallel_loop3A_37 : vector<16xi32>
      %parallel_loop3A_39 = tpu.vector_load_idx %arg7[%parallel_loop3A_38] : memref<2048xf32, #tpu.memory_space<vmem>>[vector<16xi32>], vector<16xf32>,
      %parallel_loop3A_40 = arith.addi %parallel_loop3A_38, %parallel_loop3A_38 : vector<16xi32>
      %parallel_loop3A_41 = arith.cmpf ole, %parallel_loop3A_39, %parallel_loop3A_11 : vector<16xf32>
      %parallel_loop3A_42 = arith.extui %parallel_loop3A_41 : vector<16xi1> to vector<16xi32>
      %parallel_loop3A_43 = arith.addi %parallel_loop3A_40, %parallel_loop3A_42 : vector<16xi32>
      %parallel_loop3A_44 = tpu.vector_load_idx %arg7[%parallel_loop3A_43] : memref<2048xf32, #tpu.memory_space<vmem>>[vector<16xi32>], vector<16xf32>,
      %parallel_loop3A_45 = arith.addi %parallel_loop3A_43, %parallel_loop3A_43 : vector<16xi32>
      %parallel_loop3A_46 = arith.cmpf ole, %parallel_loop3A_44, %parallel_loop3A_11 : vector<16xf32>
      %parallel_loop3A_47 = arith.extui %parallel_loop3A_46 : vector<16xi1> to vector<16xi32>
      %parallel_loop3A_48 = arith.addi %parallel_loop3A_45, %parallel_loop3A_47 : vector<16xi32>
      %parallel_loop3A_49 = tpu.vector_load_idx %arg7[%parallel_loop3A_48] : memref<2048xf32, #tpu.memory_space<vmem>>[vector<16xi32>], vector<16xf32>,
      %parallel_loop3A_50 = arith.addi %parallel_loop3A_48, %parallel_loop3A_48 : vector<16xi32>
      %parallel_loop3A_51 = arith.cmpf ole, %parallel_loop3A_49, %parallel_loop3A_11 : vector<16xf32>
      %parallel_loop3A_52 = arith.extui %parallel_loop3A_51 : vector<16xi1> to vector<16xi32>
      %parallel_loop3A_53 = arith.addi %parallel_loop3A_50, %parallel_loop3A_52 : vector<16xi32>
      %parallel_loop3A_54 = tpu.vector_load_idx %arg7[%parallel_loop3A_53] : memref<2048xf32, #tpu.memory_space<vmem>>[vector<16xi32>], vector<16xf32>,
      %parallel_loop3A_55 = arith.addi %parallel_loop3A_53, %parallel_loop3A_53 : vector<16xi32>
      %parallel_loop3A_56 = arith.cmpf ole, %parallel_loop3A_54, %parallel_loop3A_11 : vector<16xf32>
      %parallel_loop3A_57 = arith.extui %parallel_loop3A_56 : vector<16xi1> to vector<16xi32>
      %parallel_loop3A_58 = arith.addi %parallel_loop3A_55, %parallel_loop3A_57 : vector<16xi32>
      %parallel_loop3A_59 = tpu.vector_load_idx %arg7[%parallel_loop3A_58] : memref<2048xf32, #tpu.memory_space<vmem>>[vector<16xi32>], vector<16xf32>,
      %parallel_loop3A_60 = arith.addi %parallel_loop3A_58, %parallel_loop3A_58 : vector<16xi32>
      %parallel_loop3A_61 = arith.cmpf ole, %parallel_loop3A_59, %parallel_loop3A_11 : vector<16xf32>
      %parallel_loop3A_62 = arith.extui %parallel_loop3A_61 : vector<16xi1> to vector<16xi32>
      %parallel_loop3A_63 = arith.addi %parallel_loop3A_60, %parallel_loop3A_62 : vector<16xi32>
      %parallel_loop3A_64 = tpu.vector_load_idx %arg7[%parallel_loop3A_63] : memref<2048xf32, #tpu.memory_space<vmem>>[vector<16xi32>], vector<16xf32>,
      %parallel_loop3A_65 = arith.constant 16 : i32
      %parallel_loop3A_66 = arith.muli %parallel_loop3A_7, %parallel_loop3A_65 : i32
      %parallel_loop3A_67 = arith.index_cast %parallel_loop3A_66 : i32 to index
      %parallel_loop3A_68 = tpu.vector_load %arg6[%parallel_loop3A_67] {strides = array<i32>} : memref<3072xf32, #tpu.memory_space<vmem>>, vector<16xf32>,
      tpu.vector_store %arg6[%parallel_loop3A_67], %parallel_loop3A_64 {strides = array<i32>} : memref<3072xf32, #tpu.memory_space<vmem>>, vector<16xf32>,
    } {sc.loop_unroll_factor = 8 : i64, sc.parallel_access}
    "tpu.region"() ({
      %run_scoped3A = tpu.sem_alloc : memref<!tpu.dma_semaphore, #tpu.memory_space<semaphore_mem>>
      %dma_start3A_7 = tpu.memref_slice %arg4[%mul3A_2] : memref<98304xf32, #tpu.memory_space<hbm>> -> memref<3072xf32, #tpu.memory_space<hbm>>
      %dma_start3A_8 = tpu.memref_slice %arg4[%mul3A_2] : memref<98304xf32, #tpu.memory_space<hbm>> -> memref<3072xf32, #tpu.memory_space<hbm>>
      tpu.enqueue_dma source(%arg6 : memref<3072xf32, #tpu.memory_space<vmem>>) target(%dma_start3A_8 : memref<3072xf32, #tpu.memory_space<hbm>>) target_semaphore(%run_scoped3A : memref<!tpu.dma_semaphore, #tpu.memory_space<semaphore_mem>>)
      %dma_wait3A_9 = tpu.memref_slice %arg4[%mul3A_2] : memref<98304xf32, #tpu.memory_space<hbm>> -> memref<3072xf32, #tpu.memory_space<hbm>>
      %dma_wait3A_10 = tpu.memref_slice %arg4[%mul3A_2] : memref<98304xf32, #tpu.memory_space<hbm>> -> memref<3072xf32, #tpu.memory_space<hbm>>
      tpu.wait_dma2 semaphore(%run_scoped3A : memref<!tpu.dma_semaphore, #tpu.memory_space<semaphore_mem>>) src(%arg6 : memref<3072xf32, #tpu.memory_space<vmem>>) dst(%dma_wait3A_10 : memref<3072xf32, #tpu.memory_space<hbm>>)
      tpu.yield
    }) : () -> ()
    return
  }
}

module attributes {stable_mosaic.version = 14 : i64} {
  func.func @_table_tc_kernel(%arg0: memref<1024x1xf32, #tpu.memory_space<vmem>>, %arg1: memref<2x1024xf32, #tpu.memory_space<vmem>>) attributes {dimension_semantics = [], scalar_prefetch = 0 : i64, scratch_operands = 0 : i64, tpu.core_type = #tpu.core_type<tc>} {
    %get3A = arith.constant 0 : index
    %get3A_0 = arith.constant 0 : index
    %get3A_1 = vector.load %arg0[%get3A, %get3A_0] : memref<1024x1xf32, #tpu.memory_space<vmem>>, vector<1024x1xf32>
    %transpose3A = tpu.transpose %get3A_1, [1, 0] : vector<1024x1xf32> -> vector<1x1024xf32>
    %iota3A = tpu.iota {dimensions = array<i32: 0>} : vector<1024x1024xi32>
    %iota3A_2 = tpu.iota {dimensions = array<i32: 1>} : vector<1024x1024xi32>
    %lt3A = vector.broadcast %transpose3A : vector<1x1024xf32> to vector<1024x1024xf32>
    %lt3A_3 = vector.broadcast %get3A_1 : vector<1024x1xf32> to vector<1024x1024xf32>
    %lt3A_4 = arith.cmpf olt, %lt3A, %lt3A_3 : vector<1024x1024xf32>
    %eq3A = vector.broadcast %transpose3A : vector<1x1024xf32> to vector<1024x1024xf32>
    %eq3A_5 = vector.broadcast %get3A_1 : vector<1024x1xf32> to vector<1024x1024xf32>
    %eq3A_6 = arith.cmpf oeq, %eq3A, %eq3A_5 : vector<1024x1024xf32>
    %lt3A_7 = arith.cmpi slt, %iota3A_2, %iota3A : vector<1024x1024xi32>
    %and3A = arith.andi %eq3A_6, %lt3A_7 : vector<1024x1024xi1>
    %or3A = arith.ori %lt3A_4, %and3A : vector<1024x1024xi1>
    %convert_element_type3A = arith.extui %or3A : vector<1024x1024xi1> to vector<1024x1024xi32>
    %reduce_sum3A = arith.constant dense<0> : vector<1024xi32>
    %reduce_sum3A_8 = vector.multi_reduction <add>, %convert_element_type3A, %reduce_sum3A [1] : vector<1024x1024xi32> to vector<1024xi32>
    %broadcast_in_dim3A = vector.shape_cast %reduce_sum3A_8 : vector<1024xi32> to vector<1024x1xi32>
    %iota3A_9 = tpu.iota {dimensions = array<i32: 1>} : vector<1024x1024xi32>
    %eq3A_10 = vector.broadcast %broadcast_in_dim3A : vector<1024x1xi32> to vector<1024x1024xi32>
    %eq3A_11 = arith.cmpi eq, %eq3A_10, %iota3A_9 : vector<1024x1024xi32>
    %convert_element_type3A_12 = arith.extui %eq3A_11 : vector<1024x1024xi1> to vector<1024x1024xi32>
    %convert_element_type3A_13 = arith.sitofp %convert_element_type3A_12 : vector<1024x1024xi32> to vector<1024x1024xf32>
    %mul3A = vector.broadcast %get3A_1 : vector<1024x1xf32> to vector<1024x1024xf32>
    %mul3A_14 = arith.mulf %convert_element_type3A_13, %mul3A : vector<1024x1024xf32>
    %reduce_sum3A_15 = arith.constant dense<0.000000e+00> : vector<1024xf32>
    %reduce_sum3A_16 = vector.multi_reduction <add>, %mul3A_14, %reduce_sum3A_15 [0] : vector<1024x1024xf32> to vector<1024xf32>
    %broadcast_in_dim3A_17 = vector.shape_cast %reduce_sum3A_16 : vector<1024xf32> to vector<1x1024xf32>
    %add3A = arith.constant 1 : i32
    %add3A_18 = vector.broadcast %add3A : i32 to vector<1024x1xi32>
    %add3A_19 = arith.addi %broadcast_in_dim3A, %add3A_18 : vector<1024x1xi32>
    %neg3A = arith.constant 0 : i32
    %neg3A_20 = vector.broadcast %neg3A : i32 to vector<1024x1xi32>
    %neg3A_21 = arith.subi %neg3A_20, %add3A_19 : vector<1024x1xi32>
    %and3A_22 = arith.andi %add3A_19, %neg3A_21 : vector<1024x1xi32>
    %convert_element_type3A_23 = arith.sitofp %and3A_22 : vector<1024x1xi32> to vector<1024x1xf32>
    %bitcast_convert_type3A = tpu.bitcast %convert_element_type3A_23 : vector<1024x1xf32> -> vector<1024x1xi32>
    %shift_right_arithmetic3A = arith.constant 23 : i32
    %shift_right_arithmetic3A_24 = vector.broadcast %shift_right_arithmetic3A : i32 to vector<1024x1xi32>
    %shift_right_arithmetic3A_25 = arith.shrsi %bitcast_convert_type3A, %shift_right_arithmetic3A_24 : vector<1024x1xi32>
    %sub3A = arith.constant 127 : i32
    %sub3A_26 = vector.broadcast %sub3A : i32 to vector<1024x1xi32>
    %sub3A_27 = arith.subi %shift_right_arithmetic3A_25, %sub3A_26 : vector<1024x1xi32>
    %add3A_28 = arith.constant 1025 : i32
    %add3A_29 = vector.broadcast %add3A_28 : i32 to vector<1024x1xi32>
    %add3A_30 = arith.addi %add3A_29, %broadcast_in_dim3A : vector<1024x1xi32>
    %add3A_31 = arith.constant 1 : i32
    %add3A_32 = vector.broadcast %add3A_31 : i32 to vector<1024x1xi32>
    %add3A_33 = arith.addi %sub3A_27, %add3A_32 : vector<1024x1xi32>
    %shift_right_arithmetic3A_34 = arith.shrsi %add3A_30, %add3A_33 : vector<1024x1xi32>
    %sub3A_35 = arith.constant 1 : i32
    %sub3A_36 = vector.broadcast %sub3A_35 : i32 to vector<1024x1xi32>
    %sub3A_37 = arith.subi %broadcast_in_dim3A, %sub3A_36 : vector<1024x1xi32>
    %max3A = arith.constant 0 : i32
    %max3A_38 = vector.broadcast %max3A : i32 to vector<1024x1xi32>
    %max3A_39 = arith.maxsi %sub3A_37, %max3A_38 : vector<1024x1xi32>
    %add3A_40 = arith.constant 1 : i32
    %add3A_41 = vector.broadcast %add3A_40 : i32 to vector<1024x1xi32>
    %add3A_42 = arith.addi %max3A_39, %add3A_41 : vector<1024x1xi32>
    %neg3A_43 = arith.constant 0 : i32
    %neg3A_44 = vector.broadcast %neg3A_43 : i32 to vector<1024x1xi32>
    %neg3A_45 = arith.subi %neg3A_44, %add3A_42 : vector<1024x1xi32>
    %and3A_46 = arith.andi %add3A_42, %neg3A_45 : vector<1024x1xi32>
    %convert_element_type3A_47 = arith.sitofp %and3A_46 : vector<1024x1xi32> to vector<1024x1xf32>
    %bitcast_convert_type3A_48 = tpu.bitcast %convert_element_type3A_47 : vector<1024x1xf32> -> vector<1024x1xi32>
    %shift_right_arithmetic3A_49 = arith.constant 23 : i32
    %shift_right_arithmetic3A_50 = vector.broadcast %shift_right_arithmetic3A_49 : i32 to vector<1024x1xi32>
    %shift_right_arithmetic3A_51 = arith.shrsi %bitcast_convert_type3A_48, %shift_right_arithmetic3A_50 : vector<1024x1xi32>
    %sub3A_52 = arith.constant 127 : i32
    %sub3A_53 = vector.broadcast %sub3A_52 : i32 to vector<1024x1xi32>
    %sub3A_54 = arith.subi %shift_right_arithmetic3A_51, %sub3A_53 : vector<1024x1xi32>
    %add3A_55 = arith.constant 1025 : i32
    %add3A_56 = vector.broadcast %add3A_55 : i32 to vector<1024x1xi32>
    %add3A_57 = arith.addi %add3A_56, %max3A_39 : vector<1024x1xi32>
    %add3A_58 = arith.constant 1 : i32
    %add3A_59 = vector.broadcast %add3A_58 : i32 to vector<1024x1xi32>
    %add3A_60 = arith.addi %sub3A_54, %add3A_59 : vector<1024x1xi32>
    %shift_right_arithmetic3A_61 = arith.shrsi %add3A_57, %add3A_60 : vector<1024x1xi32>
    %eq3A_62 = vector.broadcast %shift_right_arithmetic3A_34 : vector<1024x1xi32> to vector<1024x1024xi32>
    %eq3A_63 = arith.cmpi eq, %eq3A_62, %iota3A_9 : vector<1024x1024xi32>
    %le3A = arith.constant 1022 : i32
    %le3A_64 = vector.broadcast %le3A : i32 to vector<1024x1xi32>
    %le3A_65 = arith.cmpi sle, %broadcast_in_dim3A, %le3A_64 : vector<1024x1xi32>
    %and3A_66 = vector.broadcast %le3A_65 : vector<1024x1xi1> to vector<1024x1024xi1>
    %and3A_67 = arith.andi %eq3A_63, %and3A_66 : vector<1024x1024xi1>
    %convert_element_type3A_68 = arith.extui %and3A_67 : vector<1024x1024xi1> to vector<1024x1024xi32>
    %convert_element_type3A_69 = arith.sitofp %convert_element_type3A_68 : vector<1024x1024xi32> to vector<1024x1024xf32>
    %eq3A_70 = vector.broadcast %shift_right_arithmetic3A_61 : vector<1024x1xi32> to vector<1024x1024xi32>
    %eq3A_71 = arith.cmpi eq, %eq3A_70, %iota3A_9 : vector<1024x1024xi32>
    %ge3A = arith.constant 1 : i32
    %ge3A_72 = vector.broadcast %ge3A : i32 to vector<1024x1xi32>
    %ge3A_73 = arith.cmpi sge, %broadcast_in_dim3A, %ge3A_72 : vector<1024x1xi32>
    %and3A_74 = vector.broadcast %ge3A_73 : vector<1024x1xi1> to vector<1024x1024xi1>
    %and3A_75 = arith.andi %eq3A_71, %and3A_74 : vector<1024x1024xi1>
    %convert_element_type3A_76 = arith.extui %and3A_75 : vector<1024x1024xi1> to vector<1024x1024xi32>
    %convert_element_type3A_77 = arith.sitofp %convert_element_type3A_76 : vector<1024x1024xi32> to vector<1024x1024xf32>
    %mul3A_78 = arith.constant 5.000000e-01 : f32
    %mul3A_79 = vector.broadcast %mul3A_78 : f32 to vector<1024x1xf32>
    %mul3A_80 = arith.mulf %mul3A_79, %get3A_1 : vector<1024x1xf32>
    %add3A_81 = arith.addf %convert_element_type3A_69, %convert_element_type3A_77 : vector<1024x1024xf32>
    %mul3A_82 = vector.broadcast %mul3A_80 : vector<1024x1xf32> to vector<1024x1024xf32>
    %mul3A_83 = arith.mulf %mul3A_82, %add3A_81 : vector<1024x1024xf32>
    %reduce_sum3A_84 = arith.constant dense<0.000000e+00> : vector<1024xf32>
    %reduce_sum3A_85 = vector.multi_reduction <add>, %mul3A_83, %reduce_sum3A_84 [0] : vector<1024x1024xf32> to vector<1024xf32>
    %broadcast_in_dim3A_86 = vector.shape_cast %reduce_sum3A_85 : vector<1024xf32> to vector<1x1024xf32>
    %swap3A = arith.constant 0 : index
    %swap3A_87 = arith.constant 0 : index
    %swap3A_88 = vector.load %arg1[%swap3A, %swap3A_87] : memref<2x1024xf32, #tpu.memory_space<vmem>>, vector<1x1024xf32>
    tpu.vector_store %arg1[%swap3A, %swap3A_87], %broadcast_in_dim3A_86 {strides = array<i32>} : memref<2x1024xf32, #tpu.memory_space<vmem>>, vector<1x1024xf32>,
    %swap3A_89 = arith.constant 1 : index
    %swap3A_90 = arith.constant 0 : index
    %swap3A_91 = vector.load %arg1[%swap3A_89, %swap3A_90] : memref<2x1024xf32, #tpu.memory_space<vmem>>, vector<1x1024xf32>
    tpu.vector_store %arg1[%swap3A_89, %swap3A_90], %broadcast_in_dim3A_17 {strides = array<i32>} : memref<2x1024xf32, #tpu.memory_space<vmem>>, vector<1x1024xf32>,
    return
  }
}

</mosaic_0001>

<sc_bundles>
// kernel: kernel.4.cloned.1.call-start
scs
__scs_entry_jumppad:
0x0: {  	(pc) =	sbr.rel $0x88, $3  }
0x1: {  	(tag) =	ssettag $0x0;
	lr =	simm.s32 $0x1  }
0x2: {  	[smem:$0x3F9F] =	sst lr;
	_ =	strace $0xD0000000  }
0x3: {  	_ = 	snop  }
0x4: {  	_ = 	snop  }
0x5: {  	_ = 	snop  }
0x6: {  	_ = 	snop  }
0x7: {  	_ = 	snop  }
__scs_overlays_trampoline_lowered:
0x8: {  	[smem:$0x3FAE] =	sst s0  }
0x9: {  	[smem:$0x3FAF] =	sst s1  }
0xa: {  	[smem:$0x3FB0] =	sst s2  }
0xb: {  	[smem:$0x3FB1] =	sst s3  }
0xc: {  	[smem:$0x3FB2] =	sst s4  }
0xd: {  	[smem:$0x3FB3] =	sst s5  }
0xe: {  	[smem:$0x3FB4] =	sst s6  }
0xf: {  	[smem:$0x3FB5] =	sst s7  }
0x10: {  	[smem:$0x3FB6] =	sst s8  }
0x11: {  	[smem:$0x3FB7] =	sst s9;
	s0 =	simm.s32 @!p0 $0x0  }
0x12: {  	s1 =	sld [smem:$0x3F9D];
	s0 =	simm.s32 @p0 $0x1  }
0x13: {  	[smem:$0x3FB8] =	sst s0;
	s0 =	simm.s32 @!p1 $0x0  }
0x14: {  	s2 =	sld [smem:$0x3F9C];
	s0 =	simm.s32 @p1 $0x1  }
0x15: {  	[smem:$0x3FB9] =	sst s0;
	s0 =	simm.s32 @!p2 $0x0  }
0x16: {  	s3 =	sld [smem:$0x3FDB];
	s0 =	simm.s32 @p2 $0x1  }
0x17: {  	s4 =	simm.s32 $0x1BF5;
	[smem:$0x3FBB] =	sst s0  }
0x18: {  	s0 =	sld [smem:$0x3F9E];
	_ =	swait.ge [sflag:s4], $0x0  }
0x19: {  	s7 =	sld [smem:$0x3F9F]  }
0x1a: {  	s8 =	sadd.s32 $0xFFFFE003, lr  }
0x1b: {  	s9 =	sadd.s32 $0xFFFFFEF7, lr;
	s5 =	simm.s32 $0xFFFFFFFF;
	p2 =	slt.u32 s8, $0xFFFFF086  }
0x1c: {  	p1 =	slt.u32 s9, $0xF7A;
	s5 =	simm.s32 @!p2 $0x0  }
0x1d: {  	s5 =	simm.s32 @p1 $0x1;
	p0 =	seq.s32 s7, s2  }
0x1e: {  	s7 =	smul.u32 @!p0 $0xF7A, s2;
	p2 =	seq.s32 @!p0 s5, $0x0  }
0x1f: {  	s9 =	smul.u32 $0xF7A, s1;
	s8 =	simm.s32 @!p0 $0x1BF5;
	p2 =	por !p2, p0  }
0x20: {  	[sflag:s8] =	ssyncset.s32 @!p0 $0xFFFFF086;
	s6 =	sadd.s32 @!p0 s3, s7;
	s7 =	simm.s32 @!p0 $0x108  }
0x21: {  	s3 =	sadd.s32 s3, s9;
	s6 =	sadd.s32 @!p0 $0x88, s6;
	s7 =	simm.s32 @p2 $0x1082  }
0x22: {  	[simem:s7], [sflag:s8] =	dma.local @!p0 [hbm:s6], $0xF7A  }
0x23: {  	s9 =	sor.u32 $0xD0000000, s2;
	s6 =	simm.s32 $0x108;
	_ =	swait.ge @!p0 [sflag:s8], $0x0  }
0x24: {  	s3 =	sadd.s32 $0x88, s3;
	s6 =	simm.s32 @!p1 $0x1082;
	[sflag:s4] =	ssyncset.s32 $0xFFFFF086  }
0x25: {  	[simem:s6], [sflag:s4] =	dma.local [hbm:s3], $0xF7A  }
0x26: {  	[smem:$0x3F9F] =	sst s1;
	(tag) =	ssettag s2;
	_ =	strace s9  }
0x27: {  	s1 =	sld [smem:$0x3FAF]  }
0x28: {  	s2 =	sld [smem:$0x3FB0]  }
0x29: {  	s4 =	sld [smem:$0x3FB2]  }
0x2a: {  	p0 =	seq.s32 s5, $0x0;
	s5 =	sld [smem:$0x3FB3]  }
0x2b: {  	s6 =	sld [smem:$0x3FB4]  }
0x2c: {  	s7 =	sld [smem:$0x3FB5]  }
0x2d: {  	s3 =	simm.s32 $0x108;
	s8 =	sld [smem:$0x3FB6]  }
0x2e: {  	s3 =	simm.s32 @!p0 $0x1082;
	s9 =	sld [smem:$0x3FB7]  }
0x2f: {  	lr =	sadd.s32 s0, s3;
	s0 =	sld [smem:$0x3FAE]  }
0x30: {  	s3 =	sld [smem:$0x3FB1]  }
0x31: {  	[smem:$0x3FBA] =	sst s10  }
0x32: {  	s10 =	sld [smem:$0x3FB8];
	_ =	sdelay $0x3  }
0x33: {  	p0 =	seq.s32 s10, $0x1;
	s10 =	sld [smem:$0x3FBA];
	_ =	sdelay $0x3  }
0x34: {  	[smem:$0x3FBA] =	sst s10  }
0x35: {  	s10 =	sld [smem:$0x3FB9];
	_ =	sdelay $0x3  }
0x36: {  	p1 =	seq.s32 s10, $0x1;
	s10 =	sld [smem:$0x3FBA];
	_ =	sdelay $0x3  }
0x37: {  	[smem:$0x3FBA] =	sst s10  }
0x38: {  	s10 =	sld [smem:$0x3FBB]  }
0x39: {  	_ = 	snop;
	(pc) =	sbr.ind lr, $3  }
0x3a: {  	_ = 	snop  }
0x3b: {  	_ = 	snop  }
0x3c: {  	p2 =	seq.s32 s10, $0x1;
	s10 =	sld [smem:$0x3FBA]  }
0x3d: {  	_ =	shalt  }
0x3e: {  	_ =	shalt  }
0x3f: {  	_ =	shalt  }
0x40: {  	_ =	shalt  }
0x41: {  	_ =	shalt  }
0x42: {  	_ =	shalt  }
0x43: {  	_ =	shalt  }
0x44: {  	_ =	shalt  }
0x45: {  	_ =	shalt  }
0x46: {  	_ =	shalt  }
0x47: {  	_ =	shalt  }
0x48: {  	_ =	shalt  }
0x49: {  	_ =	shalt  }
0x4a: {  	_ =	shalt  }
0x4b: {  	_ =	shalt  }
0x4c: {  	_ =	shalt  }
0x4d: {  	_ =	shalt  }
0x4e: {  	_ =	shalt  }
0x4f: {  	_ =	shalt  }
0x50: {  	_ =	shalt  }
0x51: {  	_ =	shalt  }
0x52: {  	_ =	shalt  }
0x53: {  	_ =	shalt  }
0x54: {  	_ =	shalt  }
0x55: {  	_ =	shalt  }
0x56: {  	_ =	shalt  }
0x57: {  	_ =	shalt  }
0x58: {  	_ =	shalt  }
0x59: {  	_ =	shalt  }
0x5a: {  	_ =	shalt  }
0x5b: {  	_ =	shalt  }
0x5c: {  	_ =	shalt  }
0x5d: {  	_ =	shalt  }
0x5e: {  	_ =	shalt  }
0x5f: {  	_ =	shalt  }
0x60: {  	_ =	shalt  }
0x61: {  	_ =	shalt  }
0x62: {  	_ =	shalt  }
0x63: {  	_ =	shalt  }
0x64: {  	_ =	shalt  }
0x65: {  	_ =	shalt  }
0x66: {  	_ =	shalt  }
0x67: {  	_ =	shalt  }
0x68: {  	_ =	shalt  }
0x69: {  	_ =	shalt  }
0x6a: {  	_ =	shalt  }
0x6b: {  	_ =	shalt  }
0x6c: {  	_ =	shalt  }
0x6d: {  	_ =	shalt  }
0x6e: {  	_ =	shalt  }
0x6f: {  	_ =	shalt  }
0x70: {  	_ =	shalt  }
0x71: {  	_ =	shalt  }
0x72: {  	_ =	shalt  }
0x73: {  	_ =	shalt  }
0x74: {  	_ =	shalt  }
0x75: {  	_ =	shalt  }
0x76: {  	_ =	shalt  }
0x77: {  	_ =	shalt  }
0x78: {  	_ =	shalt  }
0x79: {  	_ =	shalt  }
0x7a: {  	_ =	shalt  }
0x7b: {  	_ =	shalt  }
0x7c: {  	_ =	shalt  }
0x7d: {  	_ =	shalt  }
0x7e: {  	_ =	shalt  }
0x7f: {  	_ =	shalt  }
0x80: {  	_ =	shalt  }
0x81: {  	_ =	shalt  }
0x82: {  	_ =	shalt  }
0x83: {  	_ =	shalt  }
0x84: {  	_ =	shalt  }
0x85: {  	_ =	shalt  }
0x86: {  	_ =	shalt  }
0x87: {  	_ =	shalt  }
.Lfunc_end0:
.L_simem_size_0:
called_computation_lowered:
.L_overlay_start_0:
0x88: {  	s2 =	sld [smem:$0x3FD9]  }
0x89: {  	s3 =	sld [smem:$0x3FFE];
	_ =	sdelay $0x1  }
0x8a: {  	s1 =	srdreg.scid  }
0x8b: {  	s0 =	sand.u32 $0x1, s1  }
0x8c: {  	s17 =	sshll.u32 s0, $0xA;
	s2 =	sadd.s32 s3, s2  }
0x8d: {  	s2 =	sadd.s32 s2, s17  }
0x8e: {  	[smem:$0x3FC6] =	sst s2  }
0x8f: {  	_ = 	snop  }
0x90: {  	s2 =	sld [smem:$0x3FD0];
	(tm) =	ssettm $0x1  }
0x91: {  	s18 =	sld [smem:$0x3FFB];
	_ =	sdelay $0x3  }
0x92: {  	_ =	strace s18  }
0x93: {  	s3 =	sld [smem:$0x3FFC];
	_ =	sdelay $0x3  }
0x94: {  	_ =	strace s3  }
0x95: {  	s3 =	sld [smem:$0x3FFD];
	_ =	sdelay $0x3  }
0x96: {  	_ =	strace s3  }
0x97: {  	_ =	strace $0x8FFFFFFF  }
0x98: {  	s19 =	sld [smem:$0x3FDB];
	_ =	sdelay $0x1  }
0x99: {  	s4 =	simm.s32 $_scs_section_size  }
0x9a: {  	s5 =	simm.s32 $_size__tile_overlayer_lowered;
	s6 =	simm.s32 $_tile_overlayer_lowered  }
0x9b: {  	s22 =	simm.s32 $0x1BFF;
	s21 =	sshll.u32 s6, $0x1;
	s3 =	sadd.s32 s4, s19  }
0x9c: {  	s7 =	simm.s32 $0x0;
	s20 =	sshll.u32 s5, $0x1;
	s5 =	sadd.s32 s21, s3  }
0x9d: {  	[timem:s7], [sflag:s22] =	dma.local [hbm:s5], s20  }
0x9e: {  	_ =	swait.ge [sflag:s22], s20  }
0x9f: {  	s4 =	ssub.s32 $0x0, s20;
	[sflag:s22] =	ssyncset.done $0x0  }
0xa0: {  	[sflag:s22] =	ssyncadd.s32 s4;
	_ =	sdelay $0x1  }
0xa1: {  	s23 =	simm.s32 $0x1B8B  }
0xa2: {  	_ =	swait.ge [sflag:s23], $0x1  }
0xa3: {  	[sflag:s23] =	ssyncset.done $0x0  }
0xa4: {  	s25 =	simm.s32 $0x1B8E;
	s24 =	sld [smem:$0x3FFE];
	[sflag:s23] =	ssyncadd.s32 $0xFFFFFFFF  }
0xa5: {  	s26 =	simm.s32 $execute0_lowered;
	[smem:$0x3FD2] =	sst s25  }
0xa6: {  	s5 =	sshll.u32 s26, $0x1;
	_ =	strace $0x80000046;
	[dreg:$0x1] =	wrdreg $0xFFFFFFFF  }
0xa7: {  	s28 =	simm.s32 $_size_execute0_lowered;
	s3 =	sadd.s32 s3, s5;
	[dreg:$0x0] =	wrdreg $0x0  }
0xa8: {  	s5 =	sshll.u32 s28, $0x1;
	[dreg:$0x2] =	wrdreg s3  }
0xa9: {  	[dreg:$0x3] =	wrdreg s5  }
0xaa: {  	[dreg:$0x4] =	wrdreg $0xC0  }
0xab: {  	_ =	task [dreg:s7], $0x5FFFF  }
0xac: {  	[dreg:$0x1] =	wrdreg $0xFFFFFFFF  }
0xad: {  	[dreg:$0x0] =	wrdreg $0x60  }
0xae: {  	[dreg:$0x2] =	wrdreg s2  }
0xaf: {  	[dreg:$0x3] =	wrdreg s24  }
0xb0: {  	[dreg:$0x4] =	wrdreg $0x9  }
0xb1: {  	_ =	task.clear_ibuf [dreg:s7], $0x5FFFF;
	_ =	strace $0x90000046  }
0xb2: {  	s29 =	simm.s32 $0x9;
	_ =	strace $0x80000048  }
0xb3: {  	_ =	swait.ge [sflag:s29], $0x1  }
0xb4: {  	[sflag:s29] =	ssyncadd.s32 $0xFFFFFFFF  }
0xb5: {  	_ =	strace $0x90000048  }
0xb6: {  	_ =	sfence  }
0xb7: {  	s30 =	sld [smem:$0x0];
	_ =	sdelay $0x2  }
0xb8: {  	s31 =	sshll.u32 s1, $0xD;
	s1 =	sshrl.u32 s1, $0x2  }
0xb9: {  	s3 =	sand.u32 $0x4000, s31;
	s1 =	sadd.s32 s1, s30  }
0xba: {  	s0 =	sor.u32 s3, s0;
	s1 =	sshll.u32 s1, $0x11  }
0xbb: {  	s0 =	sor.u32 s1, s0  }
0xbc: {  	s0 =	sadd.s32 $0x8F2B, s0  }
0xbd: {  	[sflag:s0] =	ssyncadd.remote.s32 $0x1  }
0xbe: {  	_ =	sfence.sel $0xFFFF  }
0xbf: {  	[dreg:$0x0] =	wrdreg $0xFFFFFFFF;
	(pc) =	sbr.abs _section_cstart, $3  }
0xc0: {  	[dreg:$0x1] =	wrdreg $0xFFFFFFFF  }
0xc1: {  	_ =	task.clear_ibuf [dreg:s7], $0x2FFFF;
	_ =	strace $0x9FFFFFFF  }
0xc2: {  	(tm) =	ssettm $0x7FFFFFFF  }
0xc3: {  	_ =	shalt  }
tec
execute0_lowered:
.L_overlay_start_1:
0x0: {  	(tag) =	ssettag $0x1  }
0x1: {  	s4 =	rddreg [dreg:$0x0];
	s1 =	srdreg.scid  }
0x2: {  	s0 =	stileid.u32;
	s5 =	rddreg [dreg:$0x1];
	s2 =	simm.s32 $0x0  }
0x3: {  	s9 =	simm.s32 $0x2;
	s10 =	simm.s32 $0xC00;
	s11 =	simm.s32 $0x3  }
0x4: {  	s12 =	simm.s32 $0x0;
	s3 =	sand.u32 $0x1, s1;
	s6 =	sshll.u32 s0, $0x1  }
0x5: {  	v0 =	vimm.s32 $0x1;
	s1 =	rddreg [dreg:$0x2];
	s6 =	sor.u32 s3, s6;
	s7 =	ssub.s32 $0x2, s3  }
0x6: {  	[smem:$0x7FF] =	sst s2;
	s6 =	smul.u32 $0x180, s6;
	s8 =	sshrl.u32 s7, $0x1  }
0x7: {  	_ =	strace $0x80000047;
	s3 =	sadd.s32 $0x400, s5;
	s7 =	ssub.s32 s7, s8  }
0x8: {  	s8 =	simm.s32 $0x1;
	s5 =	sadd.s32 s6, s5;
	s4 =	sadd.s32 s4, s6  }
0x9: {  	v1 =	vimm.s32 $0x2;
	v2 =	vimm.s32 $0x4;
	v3 =	vimm.s32 $0x0;
	s6 =	smax.u32 s7, $0x1;
	s7 =	simm.s32 $0x1800;
	s5 =	sadd.s32 $0x600, s5  }
.LBB2_1:
0xa: {  	[tilespmem:s7], [sflag:$0x1] =	stream.linear.gather [hbm4b:s3+s2], $0x800, $0x38;
	[tilespmem:$0x2000] =	vst v63  }
0xb: {  	_ = 	snop  }
0xc: {  	[tilespmem:s2], [sflag:$0x2] =	stream.linear.gather [hbm4b:s4+s2], $0xC00, $0x38;
	[tilespmem:$0x2000] =	vst v63  }
0xd: {  	_ =	swait.ge [sflag:s8], $0x800  }
0xe: {  	[sflag:s8] =	ssyncset.done $0x0  }
0xf: {  	[sflag:s8] =	ssyncadd.s32 $0xFFFFF800  }
0x10: {  	_ =	swait.ge [sflag:s9], $0xC00  }
0x11: {  	[sflag:s9] =	ssyncset.done $0x0  }
0x12: {  	[sflag:s9] =	ssyncadd.s32 $0xFFFFF400  }
0x13: {  	s13 =	simm.s32 $0x40;
	v4 =	vld.idx.msk [tilespmem:v0+s7+$0x0], $0xffff  }
0x14: {  	v19 =	vld [tilespmem:s13+$0x30]  }
0x15: {  	v17 =	vld [tilespmem:s13+$0xFFFFFFD0]  }
0x16: {  	v15 =	vld [tilespmem:s13+$0xFFFFFFE0]  }
0x17: {  	v13 =	vld [tilespmem:s13+$0xFFFFFFF0]  }
0x18: {  	v14 =	vld [tilespmem:s13+$0x0]  }
0x19: {  	v18 =	vld [tilespmem:s13+$0xFFFFFFC0];
	vm1 =	vle.f32 v4, v19  }
0x1a: {  	v16 =	vld [tilespmem:s13+$0x10];
	vm2 =	vle.f32 v4, v17;
	v5 =	vsel vm1, $0x3, v1  }
0x1b: {  	v12 =	vld [tilespmem:s13+$0x20];
	vm3 =	vle.f32 v4, v15;
	v6 =	vsel vm2, $0x3, v1  }
0x1c: {  	vm4 =	vle.f32 v4, v13;
	v7 =	vsel vm3, $0x3, v1  }
0x1d: {  	v8 =	vsel vm4, $0x3, v1  }
0x1e: {  	vm5 =	vle.f32 v4, v14  }
0x1f: {  	vm6 =	vle.f32 v4, v18;
	v9 =	vsel vm5, $0x3, v1;
	v5 =	vld.idx.msk [tilespmem:v5+s7+$0x0], $0xffff  }
0x20: {  	vm7 =	vle.f32 v4, v16;
	vm0 =	vle.f32 v4, v12;
	v10 =	vsel vm6, $0x3, v1;
	v4 =	vld.idx.msk [tilespmem:v6+s7+$0x0], $0xffff  }
0x21: {  	v11 =	vsel vm7, $0x3, v1;
	v7 =	vld.idx.msk [tilespmem:v7+s7+$0x0], $0xffff  }
0x22: {  	v6 =	vsel vm0, $0x3, v1;
	v8 =	vld.idx.msk [tilespmem:v8+s7+$0x0], $0xffff  }
0x23: {  	v20 =	vsel vm1, $0x6, v2  }
0x24: {  	v22 =	vsel vm3, $0x6, v2;
	v23 =	vsel vm4, $0x6, v2;
	v9 =	vld.idx.msk [tilespmem:v9+s7+$0x0], $0xffff;
	vm8 =	vle.f32 v5, v19  }
0x25: {  	v10 =	vld.idx.msk [tilespmem:v10+s7+$0x0], $0xffff;
	v5 =	vsel vm2, $0x6, v2;
	vm1 =	vle.f32 v4, v17;
	v21 =	vsel vm8, $0x1, v3  }
0x26: {  	v11 =	vld.idx.msk [tilespmem:v11+s7+$0x0], $0xffff;
	v25 =	vsel vm1, $0x1, v3;
	vm1 =	vle.f32 v7, v15;
	v20 =	vor.u32 v21, v20  }
0x27: {  	v6 =	vld.idx.msk [tilespmem:v6+s7+$0x0], $0xffff;
	v5 =	vor.u32 v25, v5;
	v7 =	vsel vm1, $0x1, v3;
	vm1 =	vle.f32 v8, v13  }
0x28: {  	v24 =	vsel vm5, $0x6, v2;
	v7 =	vor.u32 v7, v22;
	v8 =	vsel vm1, $0x1, v3  }
0x29: {  	v4 =	vsel vm7, $0x6, v2;
	vm1 =	vle.f32 v9, v14;
	v8 =	vor.u32 v8, v23  }
0x2a: {  	vm2 =	vle.f32 v10, v18;
	v21 =	vsel vm6, $0x6, v2;
	v9 =	vsel vm1, $0x1, v3  }
0x2b: {  	v22 =	vsel vm2, $0x1, v3;
	vm1 =	vle.f32 v11, v16;
	v9 =	vor.u32 v9, v24;
	v10 =	vld.idx.msk [tilespmem:v20+s7+$0x0], $0xffff  }
0x2c: {  	v11 =	vor.u32 v22, v21;
	v21 =	vsel vm1, $0x1, v3;
	vm1 =	vle.f32 v6, v12;
	v22 =	vld.idx.msk [tilespmem:v5+s7+$0x0], $0xffff  }
0x2d: {  	v6 =	vsel vm0, $0x6, v2;
	v4 =	vor.u32 v21, v4;
	v21 =	vsel vm1, $0x1, v3;
	v23 =	vld.idx.msk [tilespmem:v7+s7+$0x0], $0xffff  }
0x2e: {  	v6 =	vor.u32 v21, v6;
	v21 =	vld.idx.msk [tilespmem:v8+s7+$0x0], $0xffff  }
0x2f: {  	v20 =	vshll.u32 v20, $0x1  }
0x30: {  	v5 =	vshll.u32 v5, $0x1;
	v7 =	vshll.u32 v7, $0x1;
	v24 =	vld.idx.msk [tilespmem:v9+s7+$0x0], $0xffff;
	vm0 =	vle.f32 v10, v19  }
0x31: {  	v10 =	vshll.u32 v11, $0x1;
	v11 =	vld.idx.msk [tilespmem:v11+s7+$0x0], $0xffff;
	v25 =	vsel vm0, $0x1, v3;
	vm0 =	vle.f32 v22, v17  }
0x32: {  	v20 =	vor.u32 v25, v20;
	v25 =	vld.idx.msk [tilespmem:v4+s7+$0x0], $0xffff;
	v26 =	vsel vm0, $0x1, v3;
	vm0 =	vle.f32 v23, v15  }
0x33: {  	v22 =	vld.idx.msk [tilespmem:v6+s7+$0x0], $0xffff;
	v5 =	vor.u32 v26, v5;
	v23 =	vsel vm0, $0x1, v3;
	vm0 =	vle.f32 v21, v13  }
0x34: {  	v8 =	vshll.u32 v8, $0x1;
	v7 =	vor.u32 v23, v7;
	v21 =	vsel vm0, $0x1, v3  }
0x35: {  	v9 =	vshll.u32 v9, $0x1;
	vm0 =	vle.f32 v24, v14;
	v8 =	vor.u32 v21, v8  }
0x36: {  	v4 =	vshll.u32 v4, $0x1;
	vm1 =	vle.f32 v11, v18;
	v11 =	vsel vm0, $0x1, v3  }
0x37: {  	v23 =	vsel vm1, $0x1, v3;
	v9 =	vor.u32 v11, v9;
	v21 =	vld.idx.msk [tilespmem:v20+s7+$0x0], $0xffff;
	vm0 =	vle.f32 v25, v16  }
0x38: {  	v10 =	vor.u32 v23, v10;
	v11 =	vsel vm0, $0x1, v3;
	vm0 =	vle.f32 v22, v12;
	v22 =	vld.idx.msk [tilespmem:v5+s7+$0x0], $0xffff  }
0x39: {  	v6 =	vshll.u32 v6, $0x1;
	v4 =	vor.u32 v11, v4;
	v11 =	vsel vm0, $0x1, v3;
	v23 =	vld.idx.msk [tilespmem:v7+s7+$0x0], $0xffff  }
0x3a: {  	v6 =	vor.u32 v11, v6;
	v11 =	vld.idx.msk [tilespmem:v8+s7+$0x0], $0xffff  }
0x3b: {  	v20 =	vshll.u32 v20, $0x1  }
0x3c: {  	v5 =	vshll.u32 v5, $0x1;
	v7 =	vshll.u32 v7, $0x1;
	v24 =	vld.idx.msk [tilespmem:v9+s7+$0x0], $0xffff;
	vm0 =	vle.f32 v21, v19  }
0x3d: {  	v21 =	vshll.u32 v10, $0x1;
	v10 =	vld.idx.msk [tilespmem:v10+s7+$0x0], $0xffff;
	v25 =	vsel vm0, $0x1, v3;
	vm0 =	vle.f32 v22, v17  }
0x3e: {  	v20 =	vor.u32 v25, v20;
	v25 =	vld.idx.msk [tilespmem:v4+s7+$0x0], $0xffff;
	v26 =	vsel vm0, $0x1, v3;
	vm0 =	vle.f32 v23, v15  }
0x3f: {  	v22 =	vld.idx.msk [tilespmem:v6+s7+$0x0], $0xffff;
	v5 =	vor.u32 v26, v5;
	v23 =	vsel vm0, $0x1, v3;
	vm0 =	vle.f32 v11, v13  }
0x40: {  	v8 =	vshll.u32 v8, $0x1;
	v7 =	vor.u32 v23, v7;
	v11 =	vsel vm0, $0x1, v3  }
0x41: {  	v9 =	vshll.u32 v9, $0x1;
	vm0 =	vle.f32 v24, v14;
	v8 =	vor.u32 v11, v8  }
0x42: {  	v4 =	vshll.u32 v4, $0x1;
	vm1 =	vle.f32 v10, v18;
	v10 =	vsel vm0, $0x1, v3  }
0x43: {  	v23 =	vsel vm1, $0x1, v3;
	v9 =	vor.u32 v10, v9;
	v11 =	vld.idx.msk [tilespmem:v20+s7+$0x0], $0xffff;
	vm0 =	vle.f32 v25, v16  }
0x44: {  	v10 =	vor.u32 v23, v21;
	v21 =	vsel vm0, $0x1, v3;
	vm0 =	vle.f32 v22, v12;
	v22 =	vld.idx.msk [tilespmem:v5+s7+$0x0], $0xffff  }
0x45: {  	v6 =	vshll.u32 v6, $0x1;
	v4 =	vor.u32 v21, v4;
	v21 =	vsel vm0, $0x1, v3;
	v23 =	vld.idx.msk [tilespmem:v7+s7+$0x0], $0xffff  }
0x46: {  	v6 =	vor.u32 v21, v6;
	v21 =	vld.idx.msk [tilespmem:v8+s7+$0x0], $0xffff  }
0x47: {  	v20 =	vshll.u32 v20, $0x1  }
0x48: {  	v5 =	vshll.u32 v5, $0x1;
	v7 =	vshll.u32 v7, $0x1;
	v24 =	vld.idx.msk [tilespmem:v9+s7+$0x0], $0xffff;
	vm0 =	vle.f32 v11, v19  }
0x49: {  	v11 =	vshll.u32 v10, $0x1;
	v10 =	vld.idx.msk [tilespmem:v10+s7+$0x0], $0xffff;
	v25 =	vsel vm0, $0x1, v3;
	vm0 =	vle.f32 v22, v17  }
0x4a: {  	v20 =	vor.u32 v25, v20;
	v25 =	vld.idx.msk [tilespmem:v4+s7+$0x0], $0xffff;
	v26 =	vsel vm0, $0x1, v3;
	vm0 =	vle.f32 v23, v15  }
0x4b: {  	v22 =	vld.idx.msk [tilespmem:v6+s7+$0x0], $0xffff;
	v5 =	vor.u32 v26, v5;
	v23 =	vsel vm0, $0x1, v3;
	vm0 =	vle.f32 v21, v13  }
0x4c: {  	v8 =	vshll.u32 v8, $0x1;
	v7 =	vor.u32 v23, v7;
	v21 =	vsel vm0, $0x1, v3  }
0x4d: {  	v9 =	vshll.u32 v9, $0x1;
	vm0 =	vle.f32 v24, v14;
	v8 =	vor.u32 v21, v8  }
0x4e: {  	v4 =	vshll.u32 v4, $0x1;
	vm1 =	vle.f32 v10, v18;
	v10 =	vsel vm0, $0x1, v3  }
0x4f: {  	v23 =	vsel vm1, $0x1, v3;
	v9 =	vor.u32 v10, v9;
	v21 =	vld.idx.msk [tilespmem:v20+s7+$0x0], $0xffff;
	vm0 =	vle.f32 v25, v16  }
0x50: {  	v10 =	vor.u32 v23, v11;
	v11 =	vsel vm0, $0x1, v3;
	vm0 =	vle.f32 v22, v12;
	v22 =	vld.idx.msk [tilespmem:v5+s7+$0x0], $0xffff  }
0x51: {  	v6 =	vshll.u32 v6, $0x1;
	v4 =	vor.u32 v11, v4;
	v11 =	vsel vm0, $0x1, v3;
	v23 =	vld.idx.msk [tilespmem:v7+s7+$0x0], $0xffff  }
0x52: {  	v6 =	vor.u32 v11, v6;
	v11 =	vld.idx.msk [tilespmem:v8+s7+$0x0], $0xffff  }
0x53: {  	v20 =	vshll.u32 v20, $0x1  }
0x54: {  	v5 =	vshll.u32 v5, $0x1;
	v7 =	vshll.u32 v7, $0x1;
	v24 =	vld.idx.msk [tilespmem:v9+s7+$0x0], $0xffff;
	vm0 =	vle.f32 v21, v19  }
0x55: {  	v21 =	vshll.u32 v10, $0x1;
	v10 =	vld.idx.msk [tilespmem:v10+s7+$0x0], $0xffff;
	v25 =	vsel vm0, $0x1, v3;
	vm0 =	vle.f32 v22, v17  }
0x56: {  	v20 =	vor.u32 v25, v20;
	v25 =	vld.idx.msk [tilespmem:v4+s7+$0x0], $0xffff;
	v26 =	vsel vm0, $0x1, v3;
	vm0 =	vle.f32 v23, v15  }
0x57: {  	v22 =	vld.idx.msk [tilespmem:v6+s7+$0x0], $0xffff;
	v5 =	vor.u32 v26, v5;
	v23 =	vsel vm0, $0x1, v3;
	vm0 =	vle.f32 v11, v13  }
0x58: {  	v8 =	vshll.u32 v8, $0x1;
	v7 =	vor.u32 v23, v7;
	v11 =	vsel vm0, $0x1, v3  }
0x59: {  	v9 =	vshll.u32 v9, $0x1;
	vm0 =	vle.f32 v24, v14;
	v8 =	vor.u32 v11, v8  }
0x5a: {  	v4 =	vshll.u32 v4, $0x1;
	vm1 =	vle.f32 v10, v18;
	v10 =	vsel vm0, $0x1, v3  }
0x5b: {  	v23 =	vsel vm1, $0x1, v3;
	v9 =	vor.u32 v10, v9;
	v11 =	vld.idx.msk [tilespmem:v20+s7+$0x0], $0xffff;
	vm0 =	vle.f32 v25, v16  }
0x5c: {  	v10 =	vor.u32 v23, v21;
	v21 =	vsel vm0, $0x1, v3;
	vm0 =	vle.f32 v22, v12;
	v22 =	vld.idx.msk [tilespmem:v5+s7+$0x0], $0xffff  }
0x5d: {  	v6 =	vshll.u32 v6, $0x1;
	v4 =	vor.u32 v21, v4;
	v21 =	vsel vm0, $0x1, v3;
	v23 =	vld.idx.msk [tilespmem:v7+s7+$0x0], $0xffff  }
0x5e: {  	v6 =	vor.u32 v21, v6;
	v21 =	vld.idx.msk [tilespmem:v8+s7+$0x0], $0xffff  }
0x5f: {  	v20 =	vshll.u32 v20, $0x1  }
0x60: {  	v5 =	vshll.u32 v5, $0x1;
	v7 =	vshll.u32 v7, $0x1;
	v24 =	vld.idx.msk [tilespmem:v9+s7+$0x0], $0xffff;
	vm0 =	vle.f32 v11, v19  }
0x61: {  	v11 =	vshll.u32 v10, $0x1;
	v10 =	vld.idx.msk [tilespmem:v10+s7+$0x0], $0xffff;
	v25 =	vsel vm0, $0x1, v3;
	vm0 =	vle.f32 v22, v17  }
0x62: {  	v20 =	vor.u32 v25, v20;
	v25 =	vld.idx.msk [tilespmem:v4+s7+$0x0], $0xffff;
	v26 =	vsel vm0, $0x1, v3;
	vm0 =	vle.f32 v23, v15  }
0x63: {  	v22 =	vld.idx.msk [tilespmem:v6+s7+$0x0], $0xffff;
	v5 =	vor.u32 v26, v5;
	v23 =	vsel vm0, $0x1, v3;
	vm0 =	vle.f32 v21, v13  }
0x64: {  	v8 =	vshll.u32 v8, $0x1;
	v7 =	vor.u32 v23, v7;
	v21 =	vsel vm0, $0x1, v3  }
0x65: {  	v9 =	vshll.u32 v9, $0x1;
	vm0 =	vle.f32 v24, v14;
	v8 =	vor.u32 v21, v8  }
0x66: {  	v4 =	vshll.u32 v4, $0x1;
	vm1 =	vle.f32 v10, v18;
	v10 =	vsel vm0, $0x1, v3  }
0x67: {  	v23 =	vsel vm1, $0x1, v3;
	v9 =	vor.u32 v10, v9;
	v21 =	vld.idx.msk [tilespmem:v20+s7+$0x0], $0xffff;
	vm0 =	vle.f32 v25, v16  }
0x68: {  	v10 =	vor.u32 v23, v11;
	v11 =	vsel vm0, $0x1, v3;
	vm0 =	vle.f32 v22, v12;
	v22 =	vld.idx.msk [tilespmem:v5+s7+$0x0], $0xffff  }
0x69: {  	v6 =	vshll.u32 v6, $0x1;
	v4 =	vor.u32 v11, v4;
	v11 =	vsel vm0, $0x1, v3;
	v23 =	vld.idx.msk [tilespmem:v7+s7+$0x0], $0xffff  }
0x6a: {  	v6 =	vor.u32 v11, v6;
	v11 =	vld.idx.msk [tilespmem:v8+s7+$0x0], $0xffff  }
0x6b: {  	v28 =	vld.idx.msk [tilespmem:v0+s7+$0x0], $0xffff;
	v20 =	vshll.u32 v20, $0x1;
	v25 =	vshll.u32 v10, $0x1;
	v5 =	vshll.u32 v5, $0x1  }
0x6c: {  	v7 =	vshll.u32 v7, $0x1;
	v8 =	vshll.u32 v8, $0x1;
	vm0 =	vle.f32 v21, v19;
	v21 =	vld.idx.msk [tilespmem:v9+s7+$0x0], $0xffff  }
0x6d: {  	v26 =	vshll.u32 v4, $0x1;
	v27 =	vshll.u32 v6, $0x1;
	v10 =	vld.idx.msk [tilespmem:v10+s7+$0x0], $0xffff;
	v24 =	vsel vm0, $0x1, v3  }
0x6e: {  	v9 =	vshll.u32 v9, $0x1;
	vm0 =	vle.f32 v22, v17;
	v20 =	vor.u32 v24, v20;
	v24 =	vld.idx.msk [tilespmem:v4+s7+$0x0], $0xffff  }
0x6f: {  	s13 =	simm.s32 $0xC0;
	vm1 =	vle.f32 v23, v15;
	v4 =	vsel vm0, $0x1, v3;
	v22 =	vld.idx.msk [tilespmem:v6+s7+$0x0], $0xffff;
	vm0 =	vle.f32 v11, v13  }
0x70: {  	v6 =	vsel vm1, $0x1, v3;
	v29 =	vor.u32 v4, v5;
	v4 =	vld [tilespmem:s13+$0x30];
	v5 =	vsel vm0, $0x1, v3  }
0x71: {  	v30 =	vor.u32 v6, v7;
	vm0 =	vle.f32 v21, v14;
	v31 =	vor.u32 v5, v8;
	v5 =	vld [tilespmem:s13+$0xFFFFFFD0]  }
0x72: {  	v33 =	vshll.u32 v29, $0x1;
	vm1 =	vle.f32 v10, v18;
	v10 =	vld [tilespmem:s13+$0x10];
	v6 =	vsel vm0, $0x1, v3  }
0x73: {  	v23 =	vshll.u32 v30, $0x1;
	v7 =	vsel vm1, $0x1, v3;
	v11 =	vld.idx.msk [tilespmem:v20+s7+$0x0], $0xffff;
	v32 =	vor.u32 v6, v9  }
0x74: {  	vm0 =	vle.f32 v24, v16;
	v6 =	vld [tilespmem:s13+$0xFFFFFFE0];
	v24 =	vor.u32 v7, v25;
	v20 =	vshll.u32 v20, $0x1  }
0x75: {  	v9 =	vld [tilespmem:s13+$0x0];
	v8 =	vsel vm0, $0x1, v3;
	vm0 =	vle.f32 v22, v12;
	v25 =	vshll.u32 v24, $0x1  }
0x76: {  	v22 =	vshll.u32 v31, $0x1;
	v21 =	vshll.u32 v32, $0x1;
	v26 =	vor.u32 v8, v26  }
0x77: {  	v7 =	vld [tilespmem:s13+$0xFFFFFFF0];
	v8 =	vsel vm0, $0x1, v3;
	vm0 =	vle.f32 v28, v4;
	vm1 =	vle.f32 v28, v5  }
0x78: {  	v27 =	vor.u32 v8, v27;
	v8 =	vld [tilespmem:s13+$0x20];
	v34 =	vsel vm0, $0x3, v1;
	v36 =	vsel vm1, $0x3, v1  }
0x79: {  	v38 =	vsel vm1, $0x6, v2;
	vm1 =	vle.f32 v28, v10;
	vm2 =	vle.f32 v11, v19;
	v11 =	vld [tilespmem:s13+$0xFFFFFFC0]  }
0x7a: {  	vm3 =	vle.f32 v28, v6;
	v24 =	vld.idx.msk [tilespmem:v24+s7+$0x0], $0xffff;
	vm10 =	vle.f32 v28, v9;
	v35 =	vsel vm2, $0x1, v3  }
0x7b: {  	v29 =	vld.idx.msk [tilespmem:v29+s7+$0x0], $0xffff;
	v41 =	vsel vm1, $0x3, v1;
	v47 =	vsel vm1, $0x6, v2;
	v35 =	vor.u32 v35, v20  }
0x7c: {  	v30 =	vld.idx.msk [tilespmem:v30+s7+$0x0], $0xffff;
	vm2 =	vle.f32 v28, v7;
	v39 =	vsel vm10, $0x3, v1;
	v20 =	vsel vm3, $0x3, v1  }
0x7d: {  	v40 =	vsel vm3, $0x6, v2;
	v45 =	vsel vm10, $0x6, v2;
	vm3 =	vle.f32 v28, v8;
	v34 =	vld.idx.msk [tilespmem:v34+s7+$0x0], $0xffff  }
0x7e: {  	v31 =	vld.idx.msk [tilespmem:v31+s7+$0x0], $0xffff;
	v37 =	vsel vm2, $0x3, v1;
	v42 =	vsel vm3, $0x3, v1;
	v48 =	vsel vm3, $0x6, v2  }
0x7f: {  	v36 =	vld.idx.msk [tilespmem:v36+s7+$0x0], $0xffff;
	vm11 =	vle.f32 v28, v11;
	v28 =	vsel vm2, $0x6, v2;
	vm1 =	vle.f32 v24, v18  }
0x80: {  	vm2 =	vle.f32 v29, v17;
	v29 =	vshll.u32 v26, $0x1;
	v43 =	vsel vm11, $0x3, v1;
	v46 =	vld.idx.msk [tilespmem:v35+s7+$0x0], $0xffff  }
0x81: {  	v44 =	vsel vm11, $0x6, v2;
	v49 =	vsel vm2, $0x1, v3;
	v24 =	vld.idx.msk [tilespmem:v20+s7+$0x0], $0xffff;
	v20 =	vsel vm1, $0x1, v3  }
0x82: {  	vm1 =	vle.f32 v30, v15;
	v30 =	vshll.u32 v27, $0x1;
	vm2 =	vle.f32 v34, v4  }
0x83: {  	v37 =	vld.idx.msk [tilespmem:v37+s7+$0x0], $0xffff;
	v20 =	vor.u32 v20, v25;
	v25 =	vsel vm0, $0x6, v2;
	vm0 =	vle.f32 v31, v13  }
0x84: {  	v62 =	vld.idx.msk [tilespmem:v39+s7+$0x0], $0xffff;
	v50 =	vsel vm1, $0x1, v3;
	v63 =	vsel vm2, $0x1, v3;
	v31 =	vsel vm0, $0x1, v3  }
0x85: {  	vm1 =	vle.f32 v36, v5;
	v23 =	vor.u32 v50, v23;
	v25 =	vor.u32 v63, v25;
	v43 =	vld.idx.msk [tilespmem:v43+s7+$0x0], $0xffff  }
0x86: {  	v52 =	vld.idx.msk [tilespmem:v41+s7+$0x0], $0xffff;
	v54 =	vsel vm1, $0x1, v3;
	v22 =	vor.u32 v31, v22;
	vm0 =	vle.f32 v46, v19  }
0x87: {  	v38 =	vor.u32 v54, v38;
	v53 =	vsel vm0, $0x1, v3;
	vm0 =	vle.f32 v24, v6  }
0x88: {  	v26 =	vld.idx.msk [tilespmem:v26+s7+$0x0], $0xffff;
	v19 =	vshll.u32 v35, $0x1;
	v55 =	vsel vm0, $0x1, v3;
	vm0 =	vle.f32 v37, v7  }
0x89: {  	v24 =	vld.idx.msk [tilespmem:v42+s7+$0x0], $0xffff;
	v19 =	vor.u32 v53, v19;
	v35 =	vor.u32 v55, v40;
	v37 =	vsel vm0, $0x1, v3  }
0x8a: {  	vm0 =	vle.f32 v62, v9;
	v56 =	vld.idx.msk [tilespmem:v25+s7+$0x0], $0xffff;
	v25 =	vshll.u32 v25, $0x1;
	vm1 =	vle.f32 v43, v11  }
0x8b: {  	v28 =	vor.u32 v37, v28;
	v34 =	vsel vm0, $0x1, v3;
	vm0 =	vle.f32 v52, v10  }
0x8c: {  	v32 =	vld.idx.msk [tilespmem:v32+s7+$0x0], $0xffff;
	v57 =	vsel vm1, $0x1, v3;
	v34 =	vor.u32 v34, v45;
	v59 =	vsel vm0, $0x1, v3  }
0x8d: {  	v27 =	vld.idx.msk [tilespmem:v27+s7+$0x0], $0xffff;
	v62 =	vshll.u32 v28, $0x1;
	vm1 =	vle.f32 v26, v16;
	v58 =	vor.u32 v57, v44  }
0x8e: {  	vm0 =	vle.f32 v24, v8;
	v24 =	vld.idx.msk [tilespmem:v38+s7+$0x0], $0xffff;
	v39 =	vor.u32 v59, v47;
	v38 =	vshll.u32 v38, $0x1  }
0x8f: {  	v63 =	vshll.u32 v34, $0x1;
	v36 =	vsel vm1, $0x1, v3;
	v59 =	vld.idx.msk [tilespmem:v20+s7+$0x0], $0xffff;
	v20 =	vshll.u32 v20, $0x1  }
0x90: {  	v40 =	vshll.u32 v58, $0x1;
	v60 =	vsel vm0, $0x1, v3;
	v45 =	vshll.u32 v39, $0x1;
	v61 =	vld.idx.msk [tilespmem:v35+s7+$0x0], $0xffff  }
0x91: {  	v35 =	vshll.u32 v35, $0x1;
	v41 =	vor.u32 v60, v48;
	vm0 =	vle.f32 v56, v4;
	v28 =	vld.idx.msk [tilespmem:v28+s7+$0x0], $0xffff  }
0x92: {  	v37 =	vshll.u32 v41, $0x1;
	v48 =	vsel vm0, $0x1, v3;
	vm0 =	vle.f32 v32, v14;
	v34 =	vld.idx.msk [tilespmem:v34+s7+$0x0], $0xffff  }
0x93: {  	v25 =	vor.u32 v48, v25;
	v26 =	vsel vm0, $0x1, v3;
	vm0 =	vle.f32 v27, v12;
	v51 =	vld.idx.msk [tilespmem:v58+s7+$0x0], $0xffff  }
0x94: {  	vm2 =	vle.f32 v24, v5;
	v27 =	vld.idx.msk [tilespmem:v39+s7+$0x0], $0xffff;
	v39 =	vsel vm0, $0x1, v3;
	v24 =	vor.u32 v49, v33  }
0x95: {  	v21 =	vor.u32 v26, v21;
	v52 =	vsel vm2, $0x1, v3;
	vm0 =	vle.f32 v61, v6  }
0x96: {  	v41 =	vld.idx.msk [tilespmem:v41+s7+$0x0], $0xffff;
	v38 =	vor.u32 v52, v38;
	v53 =	vsel vm0, $0x1, v3;
	vm0 =	vle.f32 v28, v7  }
0x97: {  	v28 =	vor.u32 v53, v35;
	v54 =	vsel vm0, $0x1, v3;
	vm0 =	vle.f32 v34, v9  }
0x98: {  	v57 =	vld.idx.msk [tilespmem:v25+s7+$0x0], $0xffff;
	v25 =	vshll.u32 v25, $0x1;
	vm1 =	vle.f32 v51, v11;
	v55 =	vor.u32 v54, v62  }
0x99: {  	v56 =	vsel vm0, $0x1, v3;
	vm0 =	vle.f32 v27, v10;
	v61 =	vld.idx.msk [tilespmem:v24+s7+$0x0], $0xffff;
	v24 =	vshll.u32 v24, $0x1  }
0x9a: {  	v58 =	vsel vm1, $0x1, v3;
	v33 =	vor.u32 v56, v63;
	v60 =	vsel vm0, $0x1, v3  }
0x9b: {  	v53 =	vshll.u32 v55, $0x1;
	v27 =	vor.u32 v58, v40;
	vm0 =	vle.f32 v41, v8;
	v63 =	vld.idx.msk [tilespmem:v38+s7+$0x0], $0xffff  }
0x9c: {  	v35 =	vor.u32 v60, v45;
	v38 =	vshll.u32 v38, $0x1;
	v54 =	vshll.u32 v33, $0x1;
	v52 =	vld.idx.msk [tilespmem:v28+s7+$0x0], $0xffff  }
0x9d: {  	v62 =	vshll.u32 v27, $0x1;
	v51 =	vsel vm0, $0x1, v3;
	vm0 =	vle.f32 v57, v4;
	v57 =	vld.idx.msk [tilespmem:v23+s7+$0x0], $0xffff  }
0x9e: {  	v28 =	vshll.u32 v28, $0x1;
	v37 =	vor.u32 v51, v37;
	v32 =	vld.idx.msk [tilespmem:v55+s7+$0x0], $0xffff;
	v34 =	vsel vm0, $0x1, v3  }
0x9f: {  	v55 =	vshll.u32 v35, $0x1;
	v56 =	vshll.u32 v37, $0x1;
	v33 =	vld.idx.msk [tilespmem:v33+s7+$0x0], $0xffff;
	v31 =	vor.u32 v34, v25  }
0xa0: {  	vm0 =	vle.f32 v59, v18;
	v18 =	vor.u32 v39, v30;
	v27 =	vld.idx.msk [tilespmem:v27+s7+$0x0], $0xffff;
	vm1 =	vle.f32 v63, v5  }
0xa1: {  	vm12 =	vle.f32 v61, v17;
	v26 =	vld.idx.msk [tilespmem:v35+s7+$0x0], $0xffff;
	v30 =	vsel vm1, $0x1, v3;
	vm2 =	vle.f32 v52, v6  }
0xa2: {  	v25 =	vor.u32 v36, v29;
	v30 =	vor.u32 v30, v38;
	v17 =	vsel vm2, $0x1, v3  }
0xa3: {  	v29 =	vld.idx.msk [tilespmem:v37+s7+$0x0], $0xffff;
	vm13 =	vle.f32 v57, v15;
	vm1 =	vle.f32 v32, v7;
	v17 =	vor.u32 v17, v28  }
0xa4: {  	v28 =	vsel vm1, $0x1, v3;
	vm1 =	vle.f32 v33, v9;
	v34 =	vld.idx.msk [tilespmem:v31+s7+$0x0], $0xffff;
	v31 =	vshll.u32 v31, $0x1  }
0xa5: {  	vm2 =	vle.f32 v27, v11;
	v27 =	vor.u32 v28, v53;
	v28 =	vsel vm1, $0x1, v3  }
0xa6: {  	v58 =	vld.idx.msk [tilespmem:v22+s7+$0x0], $0xffff;
	vm1 =	vle.f32 v26, v10;
	v59 =	vsel vm2, $0x1, v3;
	v28 =	vor.u32 v28, v54  }
0xa7: {  	v26 =	vld.idx.msk [tilespmem:v21+s7+$0x0], $0xffff;
	v60 =	vsel vm1, $0x1, v3;
	v48 =	vshll.u32 v27, $0x1;
	v35 =	vor.u32 v59, v62  }
0xa8: {  	vm1 =	vle.f32 v29, v8;
	v38 =	vld.idx.msk [tilespmem:v30+s7+$0x0], $0xffff;
	v36 =	vor.u32 v60, v55;
	v30 =	vshll.u32 v30, $0x1  }
0xa9: {  	v29 =	vld.idx.msk [tilespmem:v25+s7+$0x0], $0xffff;
	v49 =	vshll.u32 v28, $0x1;
	v61 =	vshll.u32 v35, $0x1;
	v62 =	vsel vm1, $0x1, v3  }
0xaa: {  	v50 =	vshll.u32 v36, $0x1;
	v63 =	vld.idx.msk [tilespmem:v17+s7+$0x0], $0xffff;
	v39 =	vor.u32 v62, v56;
	vm1 =	vle.f32 v34, v4  }
0xab: {  	v17 =	vshll.u32 v17, $0x1;
	v27 =	vld.idx.msk [tilespmem:v27+s7+$0x0], $0xffff;
	v51 =	vshll.u32 v39, $0x1;
	v52 =	vsel vm1, $0x1, v3  }
0xac: {  	vm1 =	vle.f32 v58, v13;
	vm2 =	vle.f32 v26, v14;
	v26 =	vsel vm12, $0x1, v3;
	v28 =	vld.idx.msk [tilespmem:v28+s7+$0x0], $0xffff  }
0xad: {  	v13 =	vsel vm13, $0x1, v3;
	v31 =	vor.u32 v52, v31;
	v32 =	vsel vm2, $0x1, v3;
	v15 =	vld.idx.msk [tilespmem:v35+s7+$0x0], $0xffff  }
0xae: {  	vm3 =	vle.f32 v29, v16;
	vm14 =	vle.f32 v38, v5;
	v14 =	vld.idx.msk [tilespmem:v36+s7+$0x0], $0xffff;
	v16 =	vsel vm0, $0x1, v3  }
0xaf: {  	v53 =	vsel vm14, $0x1, v3;
	v40 =	vsel vm3, $0x1, v3;
	vm0 =	vle.f32 v63, v6  }
0xb0: {  	v16 =	vor.u32 v16, v20;
	v29 =	vld.idx.msk [tilespmem:v39+s7+$0x0], $0xffff;
	v54 =	vsel vm0, $0x1, v3;
	vm0 =	vle.f32 v27, v7  }
0xb1: {  	v30 =	vor.u32 v53, v30;
	v17 =	vor.u32 v54, v17;
	v27 =	vsel vm0, $0x1, v3  }
0xb2: {  	vm0 =	vle.f32 v28, v9;
	v28 =	vld.idx.msk [tilespmem:v31+s7+$0x0], $0xffff;
	v31 =	vshll.u32 v31, $0x1;
	vm15 =	vle.f32 v15, v11  }
0xb3: {  	v15 =	vor.u32 v27, v48;
	v27 =	vsel vm0, $0x1, v3;
	vm0 =	vle.f32 v14, v10  }
0xb4: {  	v55 =	vsel vm15, $0x1, v3;
	v27 =	vor.u32 v27, v49;
	v57 =	vsel vm0, $0x1, v3  }
0xb5: {  	v56 =	vld.idx.msk [tilespmem:v18+s7+$0x0], $0xffff;
	v14 =	vor.u32 v55, v61;
	vm0 =	vle.f32 v29, v8;
	v33 =	vor.u32 v57, v50  }
0xb6: {  	v58 =	vld.idx.msk [tilespmem:v30+s7+$0x0], $0xffff;
	v30 =	vshll.u32 v30, $0x1;
	v61 =	vshll.u32 v15, $0x1;
	v59 =	vsel vm0, $0x1, v3  }
0xb7: {  	v62 =	vshll.u32 v27, $0x1;
	v57 =	vshll.u32 v22, $0x1;
	v60 =	vld.idx.msk [tilespmem:v17+s7+$0x0], $0xffff;
	v34 =	vor.u32 v59, v51  }
0xb8: {  	v22 =	vor.u32 v26, v24;
	v29 =	vshll.u32 v14, $0x1;
	vm0 =	vle.f32 v28, v4;
	v15 =	vld.idx.msk [tilespmem:v15+s7+$0x0], $0xffff  }
0xb9: {  	v63 =	vshll.u32 v33, $0x1;
	v17 =	vshll.u32 v17, $0x1;
	v44 =	vsel vm0, $0x1, v3;
	v27 =	vld.idx.msk [tilespmem:v27+s7+$0x0], $0xffff  }
0xba: {  	v59 =	vshll.u32 v18, $0x1;
	vm0 =	vle.f32 v56, v12;
	v31 =	vor.u32 v44, v31;
	v12 =	vld.idx.msk [tilespmem:v14+s7+$0x0], $0xffff  }
0xbb: {  	v28 =	vshll.u32 v34, $0x1;
	v14 =	vsel vm1, $0x1, v3;
	vm1 =	vle.f32 v58, v5;
	v33 =	vld.idx.msk [tilespmem:v33+s7+$0x0], $0xffff  }
0xbc: {  	v35 =	vsel vm0, $0x1, v3;
	v45 =	vsel vm1, $0x1, v3;
	vm0 =	vle.f32 v60, v6;
	v34 =	vld.idx.msk [tilespmem:v34+s7+$0x0], $0xffff  }
0xbd: {  	v30 =	vor.u32 v45, v30;
	v46 =	vsel vm0, $0x1, v3;
	vm0 =	vle.f32 v15, v7  }
0xbe: {  	v15 =	vor.u32 v46, v17;
	v17 =	vsel vm0, $0x1, v3;
	vm0 =	vle.f32 v27, v9  }
0xbf: {  	v27 =	vld.idx.msk [tilespmem:v31+s7+$0x0], $0xffff;
	vm1 =	vle.f32 v12, v11;
	v12 =	vor.u32 v17, v61;
	v17 =	vsel vm0, $0x1, v3  }
0xc0: {  	vm0 =	vle.f32 v33, v10;
	v47 =	vsel vm1, $0x1, v3;
	v17 =	vor.u32 v17, v62  }
0xc1: {  	v16 =	vld.idx.msk [tilespmem:v16+s7+$0x0], $0xffff;
	v33 =	vsel vm0, $0x1, v3;
	v29 =	vor.u32 v47, v29;
	vm0 =	vle.f32 v34, v8  }
0xc2: {  	v56 =	vshll.u32 v23, $0x1;
	v49 =	vld.idx.msk [tilespmem:v30+s7+$0x0], $0xffff;
	v33 =	vor.u32 v33, v63;
	v50 =	vsel vm0, $0x1, v3  }
0xc3: {  	v58 =	vshll.u32 v25, $0x1;
	v31 =	vshll.u32 v31, $0x1;
	v51 =	vld.idx.msk [tilespmem:v15+s7+$0x0], $0xffff;
	v28 =	vor.u32 v50, v28  }
0xc4: {  	v52 =	vshll.u32 v12, $0x1;
	v30 =	vshll.u32 v30, $0x1;
	vm0 =	vle.f32 v27, v4;
	v12 =	vld.idx.msk [tilespmem:v12+s7+$0x0], $0xffff  }
0xc5: {  	v53 =	vshll.u32 v17, $0x1;
	v48 =	vshll.u32 v29, $0x1;
	v55 =	vsel vm0, $0x1, v3;
	v17 =	vld.idx.msk [tilespmem:v17+s7+$0x0], $0xffff  }
0xc6: {  	v54 =	vshll.u32 v33, $0x1;
	v15 =	vshll.u32 v15, $0x1;
	v23 =	vld.idx.msk [tilespmem:v29+s7+$0x0], $0xffff;
	v29 =	vor.u32 v55, v31  }
0xc7: {  	s14 =	simm.s32 $0xC40;
	v27 =	vshll.u32 v28, $0x1;
	v31 =	vshll.u32 v21, $0x1;
	vm0 =	vle.f32 v49, v5;
	v21 =	vld.idx.msk [tilespmem:v33+s7+$0x0], $0xffff  }
0xc8: {  	[tilespmem:s14+$0xFFFFFFC0] =	vst v16;
	v20 =	vsel vm0, $0x1, v3;
	v16 =	vor.u32 v32, v31;
	vm1 =	vle.f32 v51, v6;
	v18 =	vld.idx.msk [tilespmem:v28+s7+$0x0], $0xffff  }
0xc9: {  	v20 =	vor.u32 v20, v30;
	v24 =	vsel vm1, $0x1, v3;
	vm0 =	vle.f32 v12, v7  }
0xca: {  	v12 =	vor.u32 v24, v15;
	v15 =	vld.idx.msk [tilespmem:v19+s7+$0x0], $0xffff;
	v19 =	vsel vm0, $0x1, v3;
	vm0 =	vle.f32 v17, v9  }
0xcb: {  	vm1 =	vle.f32 v23, v11;
	v17 =	vor.u32 v19, v52;
	v19 =	vsel vm0, $0x1, v3;
	v26 =	vld.idx.msk [tilespmem:v29+s7+$0x0], $0xffff  }
0xcc: {  	vm0 =	vle.f32 v21, v10;
	v23 =	vsel vm1, $0x1, v3;
	v28 =	vor.u32 v19, v53  }
0xcd: {  	v60 =	vld.idx.msk [tilespmem:v22+s7+$0x0], $0xffff;
	v19 =	vsel vm0, $0x1, v3;
	v30 =	vor.u32 v23, v48;
	vm0 =	vle.f32 v18, v8  }
0xce: {  	v24 =	vshll.u32 v20, $0x1;
	v61 =	vld.idx.msk [tilespmem:v20+s7+$0x0], $0xffff;
	v62 =	vor.u32 v19, v54;
	v19 =	vsel vm0, $0x1, v3  }
0xcf: {  	v22 =	vshll.u32 v17, $0x1;
	v23 =	vshll.u32 v12, $0x1;
	v63 =	vld.idx.msk [tilespmem:v12+s7+$0x0], $0xffff;
	v12 =	vor.u32 v19, v27  }
0xd0: {  	v21 =	vshll.u32 v28, $0x1;
	v20 =	vshll.u32 v29, $0x1;
	v25 =	vld.idx.msk [tilespmem:v17+s7+$0x0], $0xffff;
	vm0 =	vle.f32 v26, v4  }
0xd1: {  	v18 =	vshll.u32 v30, $0x1;
	v19 =	vshll.u32 v62, $0x1;
	v26 =	vld.idx.msk [tilespmem:v28+s7+$0x0], $0xffff;
	v27 =	vsel vm0, $0x1, v3  }
0xd2: {  	[tilespmem:s14+$0x30] =	vst v15;
	v15 =	vor.u32 v13, v56;
	v13 =	vshll.u32 v12, $0x1;
	v29 =	vld.idx.msk [tilespmem:v30+s7+$0x0], $0xffff;
	v20 =	vor.u32 v27, v20  }
0xd3: {  	v17 =	vor.u32 v14, v57;
	v14 =	vor.u32 v40, v58;
	v27 =	vld.idx.msk [tilespmem:v62+s7+$0x0], $0xffff;
	vm0 =	vle.f32 v61, v5  }
0xd4: {  	s16 =	simm.s32 $0x8;
	s15 =	simm.s32 $0xC40;
	[tilespmem:s14+$0xFFFFFFD0] =	vst v60;
	v30 =	vsel vm0, $0x1, v3;
	v28 =	vld.idx.msk [tilespmem:v12+s7+$0x0], $0xffff;
	v12 =	vor.u32 v35, v59;
	vm0 =	vle.f32 v63, v6  }
.LBB2_2:
0xd5: {  	v31 =	vld.idx.msk [tilespmem:v0+s7+$0x0], $0xffff;
	v30 =	vor.u32 v30, v24;
	v24 =	vsel vm0, $0x1, v3;
	vm0 =	vle.f32 v25, v7;
	s13 =	sadd.s32 $0x80, s13  }
0xd6: {  	s16 =	sadd.s32 $0x8, s16;
	v33 =	vld [tilespmem:s13+$0x30];
	v32 =	vor.u32 v24, v23;
	v23 =	vsel vm0, $0x1, v3;
	vm0 =	vle.f32 v26, v9  }
0xd7: {  	p0 =	slt.u32 s16, $0xB8;
	vm1 =	vle.f32 v29, v11;
	v29 =	vor.u32 v23, v22;
	v22 =	vsel vm0, $0x1, v3;
	v24 =	vld.idx.msk [tilespmem:v20+s7+$0x0], $0xffff  }
0xd8: {  	v25 =	vsel vm1, $0x1, v3;
	vm0 =	vle.f32 v27, v10;
	v23 =	vld [tilespmem:s13+$0xFFFFFFD0];
	v34 =	vor.u32 v22, v21  }
0xd9: {  	v35 =	vor.u32 v25, v18;
	v18 =	vsel vm0, $0x1, v3;
	vm0 =	vle.f32 v28, v8;
	v22 =	vld [tilespmem:s13+$0xFFFFFFE0]  }
0xda: {  	v36 =	vshll.u32 v35, $0x1;
	v37 =	vor.u32 v18, v19;
	v19 =	vsel vm0, $0x1, v3;
	v21 =	vld [tilespmem:s13+$0xFFFFFFF0]  }
0xdb: {  	v26 =	vshll.u32 v30, $0x1;
	v27 =	vshll.u32 v32, $0x1;
	v38 =	vor.u32 v19, v13;
	v18 =	vld [tilespmem:s13+$0x0]  }
0xdc: {  	v28 =	vshll.u32 v29, $0x1;
	v25 =	vshll.u32 v34, $0x1;
	vm0 =	vle.f32 v31, v33;
	v19 =	vld [tilespmem:s13+$0x10]  }
0xdd: {  	v39 =	vsel vm0, $0x3, v1;
	vm2 =	vle.f32 v24, v4;
	vm1 =	vle.f32 v31, v23;
	v13 =	vld [tilespmem:s13+$0x20]  }
0xde: {  	v20 =	vshll.u32 v20, $0x1;
	v40 =	vsel vm2, $0x1, v3;
	v24 =	vld [tilespmem:s13+$0xFFFFFFC0];
	vm3 =	vle.f32 v31, v22  }
0xdf: {  	v41 =	vsel vm1, $0x3, v1;
	v40 =	vor.u32 v40, v20;
	vm2 =	vle.f32 v31, v21;
	v35 =	vld.idx.msk [tilespmem:v35+s7+$0x0], $0xffff  }
0xe0: {  	v20 =	vsel vm3, $0x3, v1;
	v42 =	vsel vm2, $0x3, v1;
	vm4 =	vle.f32 v31, v18;
	v30 =	vld.idx.msk [tilespmem:v30+s7+$0x0], $0xffff  }
0xe1: {  	v43 =	vsel vm1, $0x6, v2;
	v44 =	vsel vm4, $0x3, v1;
	vm1 =	vle.f32 v31, v19;
	v32 =	vld.idx.msk [tilespmem:v32+s7+$0x0], $0xffff  }
0xe2: {  	v45 =	vsel vm3, $0x6, v2;
	v46 =	vsel vm1, $0x3, v1;
	vm3 =	vle.f32 v31, v13;
	v39 =	vld.idx.msk [tilespmem:v39+s7+$0x0], $0xffff  }
0xe3: {  	v47 =	vsel vm2, $0x6, v2;
	vm5 =	vle.f32 v31, v24;
	v48 =	vsel vm3, $0x3, v1;
	v49 =	vld.idx.msk [tilespmem:v29+s7+$0x0], $0xffff  }
0xe4: {  	v52 =	vsel vm4, $0x6, v2;
	v50 =	vsel vm5, $0x3, v1;
	v51 =	vsel vm5, $0x6, v2;
	v53 =	vld.idx.msk [tilespmem:v40+s7+$0x0], $0xffff  }
0xe5: {  	v54 =	vsel vm1, $0x6, v2;
	v55 =	vsel vm3, $0x6, v2;
	vm1 =	vle.f32 v35, v11;
	v41 =	vld.idx.msk [tilespmem:v41+s7+$0x0], $0xffff  }
0xe6: {  	v29 =	vshll.u32 v37, $0x1;
	v35 =	vld.idx.msk [tilespmem:v20+s7+$0x0], $0xffff;
	v20 =	vsel vm1, $0x1, v3;
	vm1 =	vle.f32 v30, v5  }
0xe7: {  	v30 =	vshll.u32 v38, $0x1;
	v42 =	vld.idx.msk [tilespmem:v42+s7+$0x0], $0xffff;
	v56 =	vsel vm1, $0x1, v3;
	vm1 =	vle.f32 v32, v6  }
0xe8: {  	vm2 =	vle.f32 v39, v33;
	v20 =	vor.u32 v20, v36;
	v44 =	vld.idx.msk [tilespmem:v44+s7+$0x0], $0xffff;
	v31 =	vsel vm1, $0x1, v3  }
0xe9: {  	v32 =	vsel vm0, $0x6, v2;
	v39 =	vsel vm2, $0x1, v3;
	vm0 =	vle.f32 v49, v7;
	v36 =	vld.idx.msk [tilespmem:v50+s7+$0x0], $0xffff  }
0xea: {  	v39 =	vor.u32 v39, v32;
	v32 =	vsel vm0, $0x1, v3;
	vm0 =	vle.f32 v53, v4;
	v4 =	vmovc v33;
	v46 =	vld.idx.msk [tilespmem:v46+s7+$0x0], $0xffff  }
0xeb: {  	v40 =	vshll.u32 v40, $0x1;
	vm1 =	vle.f32 v41, v23;
	v41 =	vsel vm0, $0x1, v3;
	v33 =	vld.idx.msk [tilespmem:v48+s7+$0x0], $0xffff  }
0xec: {  	v48 =	vsel vm1, $0x1, v3;
	vm0 =	vle.f32 v35, v22;
	v35 =	vor.u32 v41, v40;
	v34 =	vld.idx.msk [tilespmem:v34+s7+$0x0], $0xffff  }
0xed: {  	v40 =	vor.u32 v48, v43;
	v41 =	vsel vm0, $0x1, v3;
	vm0 =	vle.f32 v42, v21;
	v37 =	vld.idx.msk [tilespmem:v37+s7+$0x0], $0xffff  }
0xee: {  	v41 =	vor.u32 v41, v45;
	v42 =	vsel vm0, $0x1, v3;
	vm0 =	vle.f32 v44, v18;
	v38 =	vld.idx.msk [tilespmem:v38+s7+$0x0], $0xffff  }
0xef: {  	vm1 =	vle.f32 v36, v24;
	v36 =	vor.u32 v42, v47;
	v42 =	vsel vm0, $0x1, v3;
	v43 =	vld.idx.msk [tilespmem:v39+s7+$0x0], $0xffff  }
0xf0: {  	v44 =	vsel vm1, $0x1, v3;
	v42 =	vor.u32 v42, v52;
	vm0 =	vle.f32 v46, v19;
	v45 =	vld.idx.msk [tilespmem:v20+s7+$0x0], $0xffff  }
0xf1: {  	v44 =	vor.u32 v44, v51;
	v46 =	vsel vm0, $0x1, v3;
	vm0 =	vle.f32 v33, v13;
	v33 =	vld.idx.msk [tilespmem:v35+s7+$0x0], $0xffff  }
0xf2: {  	v35 =	vshll.u32 v44, $0x1;
	v46 =	vor.u32 v46, v54;
	v48 =	vsel vm0, $0x1, v3;
	v47 =	vld.idx.msk [tilespmem:v40+s7+$0x0], $0xffff  }
0xf3: {  	v40 =	vshll.u32 v40, $0x1;
	v48 =	vor.u32 v48, v55;
	v49 =	vld.idx.msk [tilespmem:v41+s7+$0x0], $0xffff;
	v41 =	vshll.u32 v41, $0x1  }
0xf4: {  	v51 =	vshll.u32 v42, $0x1;
	v52 =	vshll.u32 v46, $0x1;
	v50 =	vld.idx.msk [tilespmem:v36+s7+$0x0], $0xffff;
	v36 =	vshll.u32 v36, $0x1  }
0xf5: {  	vm1 =	vle.f32 v34, v9;
	v53 =	vshll.u32 v48, $0x1;
	vm0 =	vle.f32 v43, v4;
	v42 =	vld.idx.msk [tilespmem:v42+s7+$0x0], $0xffff  }
0xf6: {  	s14 =	sadd.s32 $0x80, s14;
	v39 =	vshll.u32 v39, $0x1;
	v43 =	vsel vm0, $0x1, v3;
	vm0 =	vle.f32 v37, v10;
	v34 =	vld.idx.msk [tilespmem:v44+s7+$0x0], $0xffff  }
0xf7: {  	v39 =	vor.u32 v43, v39;
	v43 =	vsel vm1, $0x1, v3;
	vm1 =	vle.f32 v38, v8;
	v37 =	vld.idx.msk [tilespmem:v46+s7+$0x0], $0xffff;
	[tilespmem:s14+$0x30] =	vst v33  }
0xf8: {  	v38 =	vsel vm0, $0x1, v3;
	vm2 =	vle.f32 v47, v23;
	v44 =	vsel vm1, $0x1, v3;
	v33 =	vld.idx.msk [tilespmem:v48+s7+$0x0], $0xffff  }
0xf9: {  	v26 =	vor.u32 v56, v26;
	v46 =	vsel vm2, $0x1, v3;
	vm0 =	vle.f32 v49, v22;
	v15 =	vld.idx.msk [tilespmem:v15+s7+$0x0], $0xffff  }
0xfa: {  	v40 =	vor.u32 v46, v40;
	v46 =	vsel vm0, $0x1, v3;
	vm0 =	vle.f32 v50, v21;
	v17 =	vld.idx.msk [tilespmem:v17+s7+$0x0], $0xffff  }
0xfb: {  	v41 =	vor.u32 v46, v41;
	v46 =	vsel vm0, $0x1, v3;
	vm0 =	vle.f32 v42, v18;
	v16 =	vld.idx.msk [tilespmem:v16+s7+$0x0], $0xffff  }
0xfc: {  	vm1 =	vle.f32 v34, v24;
	v34 =	vor.u32 v46, v36;
	v36 =	vsel vm0, $0x1, v3;
	v42 =	vld.idx.msk [tilespmem:v39+s7+$0x0], $0xffff  }
0xfd: {  	v46 =	vsel vm1, $0x1, v3;
	v36 =	vor.u32 v36, v51;
	vm0 =	vle.f32 v37, v19;
	v37 =	vld.idx.msk [tilespmem:v14+s7+$0x0], $0xffff  }
0xfe: {  	v35 =	vor.u32 v46, v35;
	v14 =	vsel vm0, $0x1, v3;
	vm0 =	vle.f32 v33, v13;
	v33 =	vld.idx.msk [tilespmem:v26+s7+$0x0], $0xffff  }
0xff: {  	v46 =	vshll.u32 v35, $0x1;
	v48 =	vor.u32 v14, v52;
	v14 =	vsel vm0, $0x1, v3;
	v47 =	vld.idx.msk [tilespmem:v40+s7+$0x0], $0xffff;
	[tilespmem:s15+$0xFFFFFFE0] =	vst v15  }
0x100: {  	v40 =	vshll.u32 v40, $0x1;
	v50 =	vor.u32 v14, v53;
	v49 =	vld.idx.msk [tilespmem:v41+s7+$0x0], $0xffff;
	v41 =	vshll.u32 v41, $0x1;
	[tilespmem:s15+$0xFFFFFFF0] =	vst v17  }
0x101: {  	v52 =	vshll.u32 v36, $0x1;
	v53 =	vshll.u32 v48, $0x1;
	v51 =	vld.idx.msk [tilespmem:v34+s7+$0x0], $0xffff;
	v34 =	vshll.u32 v34, $0x1;
	[tilespmem:s15+$0x0] =	vst v16  }
0x102: {  	v14 =	vor.u32 v31, v27;
	v54 =	vshll.u32 v50, $0x1;
	vm0 =	vle.f32 v42, v4;
	v36 =	vld.idx.msk [tilespmem:v36+s7+$0x0], $0xffff  }
0x103: {  	v15 =	vor.u32 v32, v28;
	v16 =	vshll.u32 v39, $0x1;
	v17 =	vsel vm0, $0x1, v3;
	v27 =	vld.idx.msk [tilespmem:v35+s7+$0x0], $0xffff;
	[tilespmem:s15+$0x10] =	vst v37  }
0x104: {  	v31 =	vor.u32 v17, v16;
	v16 =	vor.u32 v43, v25;
	v17 =	vor.u32 v38, v29;
	v28 =	vld.idx.msk [tilespmem:v48+s7+$0x0], $0xffff  }
0x105: {  	vm0 =	vle.f32 v45, v11;
	v25 =	vor.u32 v44, v30;
	vm1 =	vle.f32 v47, v23;
	v29 =	vld.idx.msk [tilespmem:v50+s7+$0x0], $0xffff  }
0x106: {  	v35 =	vsel vm1, $0x1, v3;
	vm2 =	vle.f32 v49, v22;
	vm1 =	vle.f32 v33, v5;
	v5 =	vmovc v23;
	v12 =	vld.idx.msk [tilespmem:v12+s7+$0x0], $0xffff  }
0x107: {  	v11 =	vmovc v24;
	v23 =	vor.u32 v35, v40;
	v30 =	vsel vm2, $0x1, v3;
	vm2 =	vle.f32 v51, v21;
	v32 =	vld.idx.msk [tilespmem:v14+s7+$0x0], $0xffff  }
0x108: {  	v24 =	vor.u32 v30, v41;
	v30 =	vsel vm2, $0x1, v3;
	vm2 =	vle.f32 v36, v18;
	v33 =	vld.idx.msk [tilespmem:v15+s7+$0x0], $0xffff  }
0x109: {  	vm3 =	vle.f32 v27, v11;
	v27 =	vor.u32 v30, v34;
	v30 =	vsel vm2, $0x1, v3;
	v34 =	vld.idx.msk [tilespmem:v31+s7+$0x0], $0xffff  }
0x10a: {  	v35 =	vsel vm3, $0x1, v3;
	v30 =	vor.u32 v30, v52;
	vm2 =	vle.f32 v28, v19;
	v28 =	vld.idx.msk [tilespmem:v16+s7+$0x0], $0xffff  }
0x10b: {  	v35 =	vor.u32 v35, v46;
	v36 =	vsel vm2, $0x1, v3;
	vm2 =	vle.f32 v29, v13;
	v29 =	vld.idx.msk [tilespmem:v17+s7+$0x0], $0xffff  }
0x10c: {  	v37 =	vshll.u32 v35, $0x1;
	v36 =	vor.u32 v36, v53;
	v39 =	vsel vm2, $0x1, v3;
	v38 =	vld.idx.msk [tilespmem:v23+s7+$0x0], $0xffff;
	[tilespmem:s15+$0x20] =	vst v12;
	s15 =	smov.u32 s14  }
0x10d: {  	v23 =	vshll.u32 v23, $0x1;
	v39 =	vor.u32 v39, v54;
	v12 =	vld.idx.msk [tilespmem:v24+s7+$0x0], $0xffff;
	v24 =	vshll.u32 v24, $0x1  }
0x10e: {  	v41 =	vshll.u32 v30, $0x1;
	v42 =	vshll.u32 v36, $0x1;
	v40 =	vld.idx.msk [tilespmem:v27+s7+$0x0], $0xffff;
	v27 =	vshll.u32 v27, $0x1  }
0x10f: {  	vm5 =	vle.f32 v32, v6;
	v6 =	vmovc v22;
	v43 =	vshll.u32 v39, $0x1;
	vm2 =	vle.f32 v34, v4;
	v30 =	vld.idx.msk [tilespmem:v30+s7+$0x0], $0xffff  }
0x110: {  	v31 =	vshll.u32 v31, $0x1;
	v32 =	vsel vm2, $0x1, v3;
	vm2 =	vle.f32 v33, v7;
	v7 =	vmovc v21;
	v22 =	vld.idx.msk [tilespmem:v35+s7+$0x0], $0xffff  }
0x111: {  	vm3 =	vle.f32 v28, v9;
	v31 =	vor.u32 v32, v31;
	vm4 =	vle.f32 v29, v10;
	v21 =	vld.idx.msk [tilespmem:v36+s7+$0x0], $0xffff  }
0x112: {  	v9 =	vmovc v18;
	v29 =	vsel vm0, $0x1, v3;
	v32 =	vsel vm1, $0x1, v3;
	v10 =	vmovc v19;
	vm6 =	vle.f32 v38, v5;
	v28 =	vld.idx.msk [tilespmem:v39+s7+$0x0], $0xffff  }
0x113: {  	v18 =	vsel vm6, $0x1, v3;
	vm0 =	vle.f32 v12, v6;
	v12 =	vsel vm5, $0x1, v3;
	v19 =	vld.idx.msk [tilespmem:v25+s7+$0x0], $0xffff  }
0x114: {  	v18 =	vor.u32 v18, v23;
	v23 =	vsel vm0, $0x1, v3;
	vm0 =	vle.f32 v40, v7  }
0x115: {  	v23 =	vor.u32 v23, v24;
	v24 =	vsel vm0, $0x1, v3;
	vm0 =	vle.f32 v30, v9  }
0x116: {  	vm1 =	vle.f32 v22, v11;
	v22 =	vor.u32 v24, v27;
	v24 =	vsel vm0, $0x1, v3;
	v27 =	vld.idx.msk [tilespmem:v31+s7+$0x0], $0xffff  }
0x117: {  	v30 =	vsel vm1, $0x1, v3;
	v24 =	vor.u32 v24, v41;
	vm0 =	vle.f32 v21, v10  }
0x118: {  	v21 =	vor.u32 v30, v37;
	v30 =	vsel vm0, $0x1, v3;
	vm0 =	vle.f32 v28, v13  }
0x119: {  	v28 =	vshll.u32 v21, $0x1;
	v30 =	vor.u32 v30, v42;
	v34 =	vsel vm0, $0x1, v3;
	v33 =	vld.idx.msk [tilespmem:v18+s7+$0x0], $0xffff  }
0x11a: {  	v18 =	vshll.u32 v18, $0x1;
	v34 =	vor.u32 v34, v43;
	v35 =	vld.idx.msk [tilespmem:v23+s7+$0x0], $0xffff;
	v23 =	vshll.u32 v23, $0x1  }
0x11b: {  	v37 =	vshll.u32 v24, $0x1;
	v38 =	vshll.u32 v30, $0x1;
	v36 =	vld.idx.msk [tilespmem:v22+s7+$0x0], $0xffff;
	v22 =	vshll.u32 v22, $0x1  }
0x11c: {  	vm1 =	vle.f32 v19, v8;
	v8 =	vmovc v13;
	v39 =	vshll.u32 v34, $0x1;
	vm0 =	vle.f32 v27, v4;
	v24 =	vld.idx.msk [tilespmem:v24+s7+$0x0], $0xffff  }
0x11d: {  	v19 =	vshll.u32 v31, $0x1;
	v27 =	vsel vm2, $0x1, v3;
	v13 =	vld.idx.msk [tilespmem:v21+s7+$0x0], $0xffff;
	v21 =	vsel vm0, $0x1, v3  }
0x11e: {  	v40 =	vsel vm4, $0x1, v3;
	v31 =	vsel vm3, $0x1, v3;
	v30 =	vld.idx.msk [tilespmem:v30+s7+$0x0], $0xffff;
	v19 =	vor.u32 v21, v19  }
0x11f: {  	v20 =	vshll.u32 v20, $0x1;
	vm0 =	vle.f32 v33, v5;
	v33 =	vsel vm1, $0x1, v3;
	v21 =	vld.idx.msk [tilespmem:v34+s7+$0x0], $0xffff  }
0x120: {  	v26 =	vshll.u32 v26, $0x1;
	v34 =	vsel vm0, $0x1, v3;
	vm0 =	vle.f32 v35, v6  }
0x121: {  	v18 =	vor.u32 v34, v18;
	v34 =	vsel vm0, $0x1, v3;
	vm0 =	vle.f32 v36, v7  }
0x122: {  	v23 =	vor.u32 v34, v23;
	v34 =	vsel vm0, $0x1, v3;
	vm0 =	vle.f32 v24, v9  }
0x123: {  	vm1 =	vle.f32 v13, v11;
	v13 =	vor.u32 v34, v22;
	v22 =	vsel vm0, $0x1, v3;
	v24 =	vld.idx.msk [tilespmem:v19+s7+$0x0], $0xffff  }
0x124: {  	v34 =	vsel vm1, $0x1, v3;
	v22 =	vor.u32 v22, v37;
	vm0 =	vle.f32 v30, v10  }
0x125: {  	v28 =	vor.u32 v34, v28;
	v30 =	vsel vm0, $0x1, v3;
	vm0 =	vle.f32 v21, v8  }
0x126: {  	v21 =	vshll.u32 v28, $0x1;
	v30 =	vor.u32 v30, v38;
	v35 =	vsel vm0, $0x1, v3;
	v34 =	vld.idx.msk [tilespmem:v18+s7+$0x0], $0xffff  }
0x127: {  	v18 =	vshll.u32 v18, $0x1;
	v35 =	vor.u32 v35, v39;
	v36 =	vld.idx.msk [tilespmem:v23+s7+$0x0], $0xffff;
	v23 =	vshll.u32 v23, $0x1  }
0x128: {  	v38 =	vshll.u32 v22, $0x1;
	v39 =	vshll.u32 v30, $0x1;
	v37 =	vld.idx.msk [tilespmem:v13+s7+$0x0], $0xffff;
	v13 =	vshll.u32 v13, $0x1  }
0x129: {  	v14 =	vshll.u32 v14, $0x1;
	v41 =	vshll.u32 v35, $0x1;
	vm0 =	vle.f32 v24, v4;
	v22 =	vld.idx.msk [tilespmem:v22+s7+$0x0], $0xffff  }
0x12a: {  	v42 =	vshll.u32 v15, $0x1;
	v19 =	vshll.u32 v19, $0x1;
	v24 =	vld.idx.msk [tilespmem:v28+s7+$0x0], $0xffff;
	v28 =	vsel vm0, $0x1, v3  }
0x12b: {  	v16 =	vshll.u32 v16, $0x1;
	v15 =	vld.idx.msk [tilespmem:v30+s7+$0x0], $0xffff;
	v28 =	vor.u32 v28, v19;
	v30 =	vshll.u32 v17, $0x1  }
0x12c: {  	vm0 =	vle.f32 v34, v5;
	v19 =	vor.u32 v29, v20;
	v34 =	vshll.u32 v25, $0x1;
	v17 =	vld.idx.msk [tilespmem:v35+s7+$0x0], $0xffff  }
0x12d: {  	v25 =	vor.u32 v32, v26;
	v20 =	vsel vm0, $0x1, v3;
	vm0 =	vle.f32 v36, v6  }
0x12e: {  	v20 =	vor.u32 v20, v18;
	v18 =	vsel vm0, $0x1, v3;
	vm0 =	vle.f32 v37, v7  }
0x12f: {  	v23 =	vor.u32 v18, v23;
	v18 =	vsel vm0, $0x1, v3;
	vm0 =	vle.f32 v22, v9  }
0x130: {  	vm1 =	vle.f32 v24, v11;
	v13 =	vor.u32 v18, v13;
	v18 =	vsel vm0, $0x1, v3;
	v29 =	vld.idx.msk [tilespmem:v28+s7+$0x0], $0xffff  }
0x131: {  	v22 =	vsel vm1, $0x1, v3;
	v26 =	vor.u32 v18, v38;
	vm0 =	vle.f32 v15, v10;
	v32 =	vld.idx.msk [tilespmem:v19+s7+$0x0], $0xffff  }
0x132: {  	v35 =	vor.u32 v22, v21;
	v15 =	vsel vm0, $0x1, v3;
	vm0 =	vle.f32 v17, v8;
	v36 =	vld.idx.msk [tilespmem:v25+s7+$0x0], $0xffff  }
0x133: {  	v18 =	vshll.u32 v35, $0x1;
	v38 =	vor.u32 v15, v39;
	v15 =	vsel vm0, $0x1, v3;
	v37 =	vld.idx.msk [tilespmem:v20+s7+$0x0], $0xffff  }
0x134: {  	v24 =	vshll.u32 v20, $0x1;
	v41 =	vor.u32 v15, v41;
	v39 =	vld.idx.msk [tilespmem:v23+s7+$0x0], $0xffff;
	v23 =	vshll.u32 v23, $0x1  }
0x135: {  	v22 =	vshll.u32 v13, $0x1;
	v21 =	vshll.u32 v26, $0x1;
	v19 =	vshll.u32 v38, $0x1;
	v25 =	vld.idx.msk [tilespmem:v13+s7+$0x0], $0xffff  }
.Ltmp0:
0x136: {  	v15 =	vor.u32 v12, v14;
	v13 =	vshll.u32 v41, $0x1;
	vm0 =	vle.f32 v29, v4;
	v26 =	vld.idx.msk [tilespmem:v26+s7+$0x0], $0xffff;
	(pc) =	sbr.rel @p0 .LBB2_2-.Ltmp0, $4  }
0x137: {  	v17 =	vor.u32 v27, v42;
	v12 =	vshll.u32 v28, $0x1;
	v14 =	vsel vm0, $0x1, v3;
	v29 =	vld.idx.msk [tilespmem:v35+s7+$0x0], $0xffff;
	[tilespmem:s14+$0xFFFFFFC0] =	vst v32  }
0x138: {  	v16 =	vor.u32 v31, v16;
	v20 =	vor.u32 v14, v12;
	v14 =	vor.u32 v40, v30;
	v27 =	vld.idx.msk [tilespmem:v38+s7+$0x0], $0xffff  }
0x139: {  	v12 =	vor.u32 v33, v34;
	vm0 =	vle.f32 v37, v5;
	v28 =	vld.idx.msk [tilespmem:v41+s7+$0x0], $0xffff;
	[tilespmem:s14+$0xFFFFFFD0] =	vst v36  }
0x13a: {  	v30 =	vsel vm0, $0x1, v3;
	vm0 =	vle.f32 v39, v6  }
0x13b: {  	_ =	sdelay $0x2  }
0x13c: {  	v24 =	vor.u32 v30, v24;
	v54 =	vsel vm0, $0x1, v3;
	vm13 =	vle.f32 v26, v9  }
0x13d: {  	v56 =	vld.idx.msk [tilespmem:v20+s7+$0x0], $0xffff;
	vm1 =	vle.f32 v29, v11;
	v23 =	vor.u32 v54, v23;
	v55 =	vsel vm13, $0x1, v3  }
0x13e: {  	vm12 =	vle.f32 v25, v7;
	v29 =	vsel vm1, $0x1, v3;
	v21 =	vor.u32 v55, v21  }
0x13f: {  	v25 =	vsel vm12, $0x1, v3;
	v18 =	vor.u32 v29, v18  }
0x140: {  	v22 =	vor.u32 v25, v22;
	vm14 =	vle.f32 v27, v10  }
0x141: {  	v62 =	vshll.u32 v20, $0x1;
	v57 =	vsel vm14, $0x1, v3;
	vm15 =	vle.f32 v28, v8;
	v59 =	vld.idx.msk [tilespmem:v24+s7+$0x0], $0xffff  }
0x142: {  	v19 =	vor.u32 v57, v19;
	v28 =	vsel vm15, $0x1, v3;
	vm4 =	vle.f32 v56, v4;
	v29 =	vld.idx.msk [tilespmem:v23+s7+$0x0], $0xffff  }
0x143: {  	v61 =	vshll.u32 v21, $0x1;
	v13 =	vor.u32 v28, v13;
	v26 =	vsel vm4, $0x1, v3;
	v21 =	vld.idx.msk [tilespmem:v21+s7+$0x0], $0xffff  }
0x144: {  	v20 =	vor.u32 v26, v62;
	v58 =	vld.idx.msk [tilespmem:v18+s7+$0x0], $0xffff  }
0x145: {  	v60 =	vld.idx.msk [tilespmem:v22+s7+$0x0], $0xffff  }
0x146: {  	v24 =	vshll.u32 v24, $0x1;
	v23 =	vshll.u32 v23, $0x1;
	vm6 =	vle.f32 v59, v5  }
0x147: {  	v18 =	vshll.u32 v18, $0x1;
	v63 =	vld.idx.msk [tilespmem:v19+s7+$0x0], $0xffff;
	v27 =	vsel vm6, $0x1, v3;
	vm7 =	vle.f32 v29, v6  }
0x148: {  	v33 =	vld.idx.msk [tilespmem:v13+s7+$0x0], $0xffff;
	v32 =	vsel vm7, $0x1, v3;
	v24 =	vor.u32 v27, v24;
	vm9 =	vle.f32 v21, v9  }
0x149: {  	v37 =	vld.idx.msk [tilespmem:v20+s7+$0x0], $0xffff;
	vm5 =	vle.f32 v58, v11;
	v35 =	vor.u32 v32, v23;
	v36 =	vsel vm9, $0x1, v3  }
0x14a: {  	vm8 =	vle.f32 v60, v7;
	v31 =	vsel vm5, $0x1, v3;
	v23 =	vor.u32 v36, v61  }
0x14b: {  	v22 =	vshll.u32 v22, $0x1;
	v34 =	vsel vm8, $0x1, v3;
	v18 =	vor.u32 v31, v18  }
0x14c: {  	v19 =	vshll.u32 v19, $0x1;
	vm10 =	vle.f32 v63, v10;
	v22 =	vor.u32 v34, v22  }
0x14d: {  	v13 =	vshll.u32 v13, $0x1;
	v38 =	vsel vm10, $0x1, v3;
	vm11 =	vle.f32 v33, v8;
	v40 =	vld.idx.msk [tilespmem:v24+s7+$0x0], $0xffff  }
0x14e: {  	v19 =	vor.u32 v38, v19;
	v28 =	vsel vm11, $0x1, v3;
	vm12 =	vle.f32 v37, v4;
	v41 =	vld.idx.msk [tilespmem:v35+s7+$0x0], $0xffff  }
0x14f: {  	v20 =	vshll.u32 v20, $0x1;
	v13 =	vor.u32 v28, v13;
	v25 =	vsel vm12, $0x1, v3;
	v4 =	vld.idx.msk [tilespmem:v23+s7+$0x0], $0xffff  }
0x150: {  	v20 =	vor.u32 v25, v20;
	v39 =	vld.idx.msk [tilespmem:v18+s7+$0x0], $0xffff  }
0x151: {  	v42 =	vld.idx.msk [tilespmem:v22+s7+$0x0], $0xffff;
	_ =	sdelay $0x1  }
0x152: {  	v49 =	vshll.u32 v24, $0x1;
	v51 =	vshll.u32 v35, $0x1;
	v54 =	vshll.u32 v22, $0x1;
	v43 =	vld.idx.msk [tilespmem:v19+s7+$0x0], $0xffff  }
0x153: {  	v46 =	vshll.u32 v18, $0x1;
	v44 =	vld.idx.msk [tilespmem:v13+s7+$0x0], $0xffff;
	vm14 =	vle.f32 v40, v5;
	vm2 =	vle.f32 v41, v6  }
0x154: {  	v45 =	vsel vm14, $0x1, v3;
	vm4 =	vle.f32 v4, v9;
	v4 =	vld.idx.msk [tilespmem:v20+s7+$0x0], $0xffff;
	vm13 =	vle.f32 v39, v11  }
0x155: {  	v47 =	vld.idx.msk [tilespmem:v15+s7+$0x0], $0xffff;
	vm3 =	vle.f32 v42, v7;
	v6 =	vor.u32 v45, v49;
	v5 =	vsel vm13, $0x1, v3  }
0x156: {  	v50 =	vld.idx.msk [tilespmem:v17+s7+$0x0], $0xffff;
	v57 =	vshll.u32 v23, $0x1;
	v53 =	vsel vm3, $0x1, v3;
	v5 =	vor.u32 v5, v46  }
0x157: {  	v52 =	vld.idx.msk [tilespmem:v16+s7+$0x0], $0xffff;
	v13 =	vshll.u32 v13, $0x1;
	v48 =	vsel vm2, $0x1, v3;
	v15 =	vor.u32 v53, v54  }
0x158: {  	s13 =	sadd.s32 $0x80, s14;
	v55 =	vld.idx.msk [tilespmem:v14+s7+$0x0], $0xffff;
	v56 =	vsel vm4, $0x1, v3;
	vm15 =	vle.f32 v44, v8;
	v8 =	vor.u32 v48, v51  }
0x159: {  	vm5 =	vle.f32 v43, v10;
	v14 =	vor.u32 v56, v57;
	v60 =	vsel vm15, $0x1, v3;
	[tilespmem:s13+$0x30] =	vst v4;
	v4 =	vld.idx.msk [tilespmem:v12+s7+$0x0], $0xffff  }
0x15a: {  	[tilespmem:s15+$0xFFFFFFE0] =	vst v47;
	v59 =	vshll.u32 v19, $0x1;
	v58 =	vsel vm5, $0x1, v3;
	v6 =	vld.idx.msk [tilespmem:v6+s7+$0x0], $0xffff;
	v61 =	vor.u32 v60, v13  }
0x15b: {  	[tilespmem:s15+$0xFFFFFFF0] =	vst v50;
	v12 =	vor.u32 v58, v59;
	v5 =	vld.idx.msk [tilespmem:v5+s7+$0x0], $0xffff  }
0x15c: {  	[tilespmem:s15+$0x0] =	vst v52;
	v62 =	vld.idx.msk [tilespmem:v15+s7+$0x0], $0xffff  }
0x15d: {  	[tilespmem:s15+$0x10] =	vst v55;
	v8 =	vld.idx.msk [tilespmem:v8+s7+$0x0], $0xffff  }
0x15e: {  	[tilespmem:s15+$0x20] =	vst v4;
	v4 =	vld.idx.msk [tilespmem:v14+s7+$0x0], $0xffff  }
0x15f: {  	[tilespmem:s13+$0xFFFFFFD0] =	vst v6;
	v63 =	vld.idx.msk [tilespmem:v61+s7+$0x0], $0xffff  }
0x160: {  	[tilespmem:s13+$0xFFFFFFC0] =	vst v5;
	v5 =	vld.idx.msk [tilespmem:v12+s7+$0x0], $0xffff  }
0x161: {  	[tilespmem:s13+$0xFFFFFFF0] =	vst v62  }
0x162: {  	[tilespmem:s13+$0xFFFFFFE0] =	vst v8  }
0x163: {  	s12 =	sadd.s32 $0x1, s12;
	[tilespmem:s13+$0x0] =	vst v4  }
0x164: {  	p0 =	sne.s32 s12, s6;
	[tilespmem:s13+$0x20] =	vst v63  }
.Ltmp1:
0x165: {  	[tilespmem:s13+$0x10] =	vst v5;
	(pc) =	sbr.rel @p0 .LBB2_1-.Ltmp1, $4  }
0x166: {  	[hbm4b:s5+s2] =	stream.linear.scatter [tilespmem:s10], [sflag:$0x3], $0xC00, $0x38;
	[tilespmem:$0x2000] =	vst v63  }
0x167: {  	_ =	swait.ge [sflag:s11], $0xC00  }
0x168: {  	[sflag:s11] =	ssyncset.done $0x0  }
0x169: {  	[sflag:s11] =	ssyncadd.s32 $0xFFFFF400  }
0x16a: {  	_ =	sfence.sel $0x180000  }
0x16b: {  	[bflag:$0x0] =	sbarrier.arrive $0xFFFF  }
0x16c: {  	p0 =	sne.s32 s0, $0x0;
	_ =	strace $0x90000047  }
0x16d: {  	s0 =	sadd.s32 @!p0 $0x100000, s1;
	[bflag:$0x2] =	sbarrier.arrive $0xFFFF  }
0x16e: {  	[sflag:s0] =	ssyncadd.tile.s32 @!p0 $0x1;
	_ =	shalt  }
.Lfunc_end2:
_tile_overlayer_lowered:
.L_overlay_start_2:
0x16f: {  	(tag) =	ssettag $0x2  }
0x170: {  	s0 =	rddreg [dreg:$0x0];
	s2 =	stileid.u32  }
0x171: {  	s1 =	rddreg [dreg:$0x1];
	p0 =	sne.s32 s2, $0x0  }
0x172: {  	s3 =	rddreg [dreg:$0x2];
	[bflag:$0x3] =	sbarrier.arrive $0xFFFF;
	s2 =	simm.s32 @!p0 $0x1C03  }
0x173: {  	[timem:s3], [sflag:s2] =	dma.local @!p0 [hbm:s0], s1  }
0x174: {  	s0 =	simm.s32 @!p0 $0x3  }
0x175: {  	_ =	swait.ge @!p0 [sflag:s0], s1  }
0x176: {  	s1 =	ssub.s32 @!p0 $0x0, s1;
	[sflag:s0] =	ssyncset.done @!p0 $0x0  }
0x177: {  	[sflag:s0] =	ssyncadd.s32 @!p0 s1  }
0x178: {  	[bflag:$0x3] =	sbarrier.arrive $0xFFFF  }
0x179: {  	_ =	shalt  }

</sc_bundles>
